<compile_context>
chip_gen: v7x
topology: tpu7x:2x2x1
jax: 0.10.2.dev20260603
libtpu: 0.0.44.dev20260713+nightly
codegen_flags: <defaults>
</compile_context>

<pallas_src>
import dataclasses
import functools

import jax
import jax.numpy as jnp
from jax import lax
from jax.experimental import pallas as pl
from jax.experimental.pallas import tpu as pltpu
from jax.experimental.pallas import tpu_sc as plsc

N, E, D, G, C = 10000, 320000, 128, 64, 2
NC, NS = 2, 16
NW = NC * NS
EPW = E // NW
CHUNK = 96
EPWP = 10176
NCHUNK = EPWP // CHUNK
NPAD = 10240
RPS = NPAD // NS
PAD_ROW = N

_MESH = dict(core_axis_name="c", subcore_axis_name="s", num_cores=NC,
             num_subcores=NS)


def _zero_fill(buf, rows, cols):
    @pl.loop(0, rows)
    def _(i):
        @pl.loop(0, cols, step=16)
        def _(j):
            buf[i, pl.ds(j, 16)] = jnp.zeros((16,), jnp.float32)


def _sc_deg(row2):
    mesh = plsc.VectorSubcoreMesh(**_MESH)
    cp = pltpu.CompilerParams()
    if "needs_layout_passes" in pltpu.CompilerParams.__dataclass_fields__:
        cp = dataclasses.replace(cp, needs_layout_passes=False)

    @functools.partial(
        pl.kernel,
        out_type=jax.ShapeDtypeStruct((NW, N), jnp.float32),
        mesh=mesh,
        compiler_params=cp,
        scratch_types=[
            pltpu.VMEM((N,), jnp.float32),
            pltpu.VMEM((EPW,), jnp.int32),
        ],
    )
    def k(row_hbm, out_hbm, dacc, row_v):
        c = lax.axis_index("c")
        s = lax.axis_index("s")
        wid = s * NC + c

        @pl.loop(0, N, step=16)
        def _(i):
            dacc[pl.ds(i, 16)] = jnp.zeros((16,), jnp.float32)

        pltpu.sync_copy(row_hbm.at[wid], row_v)
        ones16 = jnp.ones((16,), jnp.float32)

        @pl.loop(0, EPW, step=16)
        def _(e):
            idx = row_v[pl.ds(e, 16)]
            plsc.addupdate_scatter(dacc, [idx], ones16)

        pltpu.sync_copy(dacc, out_hbm.at[wid])

    return k(row2)


def _sc_agg(u, rowp, colf):
    mesh = plsc.VectorSubcoreMesh(**_MESH)

    @functools.partial(
        pl.kernel,
        out_type=jax.ShapeDtypeStruct((NC, NPAD, D), jnp.float32),
        mesh=mesh,
        scratch_types=[
            pltpu.VMEM_SHARED((NPAD, D), jnp.float32),
            pltpu.VMEM((NCHUNK, CHUNK), jnp.int32),
            pltpu.VMEM((EPWP,), jnp.int32),
            pltpu.VMEM((CHUNK, D), jnp.float32),
            pltpu.VMEM((CHUNK, D), jnp.float32),
            pltpu.SemaphoreType.DMA,
            pltpu.SemaphoreType.DMA,
        ],
    )
    def k(u_hbm, row_hbm, col_hbm, out_hbm, acc, row_v, col_v, gb0, gb1,
          sem0, sem1):
        gbuf = (gb0, gb1)
        gsem = (sem0, sem1)
        c = lax.axis_index("c")
        s = lax.axis_index("s")
        wid = s * NC + c
        _zero_fill(gb0, 80, D)
        @pl.loop(0, RPS, step=80)
        def _(r):
            pltpu.sync_copy(gb0.at[pl.ds(0, 80)],
                            acc.at[pl.ds(s * RPS + r, 80)])
        pltpu.sync_copy(row_hbm.at[wid], row_v)
        pltpu.sync_copy(col_hbm.at[wid], col_v)
        plsc.subcore_barrier()

        def gidx(j):
            return col_v.at[pl.ds(j * CHUNK, CHUNK)]

        for b in range(2):
            pltpu.async_copy(u_hbm.at[gidx(b)], gbuf[b], gsem[b])

        @pl.loop(0, NCHUNK, step=2)
        def _(j0):
            for b in range(2):
                j = j0 + b
                pltpu.make_async_copy(u_hbm.at[gidx(j)], gbuf[b],
                                      gsem[b]).wait()
                pltpu.sync_copy(gbuf[b], acc.at[row_v.at[j]], add=True)
                @pl.when(j + 2 < NCHUNK)
                def _():
                    pltpu.async_copy(u_hbm.at[gidx(j + 2)], gbuf[b], gsem[b])
        plsc.subcore_barrier()
        pltpu.sync_copy(acc.at[pl.ds(s * RPS, RPS)],
                        out_hbm.at[c].at[pl.ds(s * RPS, RPS)])

    return k(u, rowp, colf)


BN = 1000


def _d_of(dp_ref):
    deg = jnp.sum(dp_ref[0], axis=0)
    return jnp.where(deg > 0, lax.rsqrt(deg), 0.0)


def _tc_mm_scale(x, wt, degp):
    def body(x_ref, w_ref, dp_ref, o_ref):
        d = _d_of(dp_ref)
        o_ref[...] = jnp.dot(x_ref[...], w_ref[...],
                             preferred_element_type=jnp.float32) * d[:, None]

    return pl.pallas_call(
        body,
        grid=(N // BN,),
        in_specs=[
            pl.BlockSpec((BN, D), lambda i: (i, 0)),
            pl.BlockSpec((D, D), lambda i: (0, 0)),
            pl.BlockSpec((1, NW, BN), lambda i: (i, 0, 0)),
        ],
        out_specs=pl.BlockSpec((BN, D), lambda i: (i, 0)),
        out_shape=jax.ShapeDtypeStruct((N, D), jnp.float32),
    )(x, wt, degp)


def _tc_dense2(parts, degp, b1, w2t):
    def body(p_ref, dp_ref, b_ref, w_ref, o_ref):
        d = _d_of(dp_ref)
        agg = p_ref[0] + p_ref[1]
        h = jnp.maximum(agg * d[:, None] + b_ref[...], 0.0)
        o_ref[...] = jnp.dot(h, w_ref[...],
                             preferred_element_type=jnp.float32) * d[:, None]

    return pl.pallas_call(
        body,
        grid=(N // BN,),
        in_specs=[
            pl.BlockSpec((NC, BN, D), lambda i: (0, i, 0)),
            pl.BlockSpec((1, NW, BN), lambda i: (i, 0, 0)),
            pl.BlockSpec((1, D), lambda i: (0, 0)),
            pl.BlockSpec((D, D), lambda i: (0, 0)),
        ],
        out_specs=pl.BlockSpec((BN, D), lambda i: (i, 0)),
        out_shape=jax.ShapeDtypeStruct((N, D), jnp.float32),
    )(parts, degp, b1.reshape(1, D), w2t)


def _tc_final(parts, degp, b2, batch3, wlt, bl):
    def body(p_ref, dp_ref, b_ref, seg_ref, wl_ref, bl_ref, o_ref, pool_ref):
        i = pl.program_id(0)

        @pl.when(i == 0)
        def _():
            pool_ref[...] = jnp.zeros_like(pool_ref)

        d = _d_of(dp_ref)
        agg = p_ref[0] + p_ref[1]
        h = jnp.maximum(agg * d[:, None] + b_ref[...], 0.0)
        seg = seg_ref[0, 0, :]
        onehot = (seg[None, :] ==
                  lax.broadcasted_iota(jnp.int32, (G, BN), 0)).astype(jnp.float32)
        pool_ref[...] += jnp.dot(onehot, h, preferred_element_type=jnp.float32)

        @pl.when(i == pl.num_programs(0) - 1)
        def _():
            o_ref[...] = (jnp.dot(pool_ref[...], wl_ref[...],
                                  preferred_element_type=jnp.float32)
                          + bl_ref[...])

    return pl.pallas_call(
        body,
        grid=(N // BN,),
        in_specs=[
            pl.BlockSpec((NC, BN, D), lambda i: (0, i, 0)),
            pl.BlockSpec((1, NW, BN), lambda i: (i, 0, 0)),
            pl.BlockSpec((1, D), lambda i: (0, 0)),
            pl.BlockSpec((1, 1, BN), lambda i: (i, 0, 0)),
            pl.BlockSpec((D, C), lambda i: (0, 0)),
            pl.BlockSpec((1, C), lambda i: (0, 0)),
        ],
        out_specs=pl.BlockSpec((G, C), lambda i: (0, 0)),
        out_shape=jax.ShapeDtypeStruct((G, C), jnp.float32),
        scratch_shapes=[pltpu.VMEM((G, D), jnp.float32)],
    )(parts, degp, b2.reshape(1, D), batch3, wlt, bl.reshape(1, C))


def _pad_flat(e2, base):
    pad = jnp.broadcast_to(base + jnp.arange(EPWP - EPW, dtype=e2.dtype),
                           (NW, EPWP - EPW))
    return jnp.concatenate([e2, pad], axis=1)


def _pad_edges(e2, base):
    pad = jnp.broadcast_to(base + jnp.arange(EPWP - EPW, dtype=e2.dtype),
                           (NW, EPWP - EPW))
    return jnp.concatenate([e2, pad], axis=1).reshape(NW, NCHUNK, CHUNK)


def _gnn(x, edge_index, batch, W1, b1, W2, b2, Wl, bl):
    rowp = _pad_edges(edge_index[0].reshape(NW, EPW), PAD_ROW)
    batch3 = batch.reshape(N // BN, 1, BN)

    degp = _sc_deg(edge_index[0].reshape(NW, EPW))
    degp = degp.reshape(NW, N // BN, BN).transpose(1, 0, 2)
    colf = _pad_flat(edge_index[1].reshape(NW, EPW), 0)
    u1 = _tc_mm_scale(x, W1.T, degp)
    parts1 = _sc_agg(u1, rowp, colf)
    u2 = _tc_dense2(parts1, degp, b1, W2.T)
    parts2 = _sc_agg(u2, rowp, colf)
    return _tc_final(parts2, degp, b2, batch3, Wl.T, bl)


def kernel(x, edge_index, batch, W1, b1, W2, b2, Wl, bl):
    return _gnn(x, edge_index, batch, W1, b1, W2, b2, Wl, bl)

# --- scband reference (transcript-rebuilt; emitter-appended) ---
"""Pipeline reference for scband-torch-script-gnn-36378372997637 (READ-ONLY COPY).

The authoritative reference and input builder live on the scoring server;
editing this copy changes nothing except your own understanding.
"""

import jax, jax.numpy as jnp
import numpy as np

N, E, D, H, C, G = 10000, 320000, 128, 128, 2, 64


def setup_inputs(seed: int = 0) -> dict:
    key = jax.random.key(seed)
    ks = jax.random.split(key, 10)
    x = jax.random.normal(ks[0], (N, D), dtype=jnp.float32)
    edge_index = jax.random.randint(ks[1], (2, E), 0, N)
    batch = jnp.sort(jax.random.randint(ks[2], (N,), 0, G))
    s1 = 1.0 / np.sqrt(D)
    W1 = jax.random.uniform(ks[3], (H, D), minval=-s1, maxval=s1, dtype=jnp.float32)
    b1 = jax.random.uniform(ks[4], (H,), minval=-s1, maxval=s1, dtype=jnp.float32)
    s2 = 1.0 / np.sqrt(H)
    W2 = jax.random.uniform(ks[5], (H, H), minval=-s2, maxval=s2, dtype=jnp.float32)
    b2 = jax.random.uniform(ks[6], (H,), minval=-s2, maxval=s2, dtype=jnp.float32)
    Wl = jax.random.uniform(ks[7], (C, H), minval=-s2, maxval=s2, dtype=jnp.float32)
    bl = jax.random.uniform(ks[8], (C,), minval=-s2, maxval=s2, dtype=jnp.float32)
    return {"x": x, "edge_index": edge_index, "batch": batch,
            "W1": W1, "b1": b1, "W2": W2, "b2": b2, "Wl": Wl, "bl": bl}


def _gcn_layer(x, edge_index, W, b):
    row = edge_index[0]
    col = edge_index[1]
    num_nodes = x.shape[0]
    deg = jnp.zeros(num_nodes, dtype=jnp.float32).at[row].add(1.0)
    deg_inv_sqrt = jnp.where(deg > 0, deg ** -0.5, 0.0)
    norm = deg_inv_sqrt[row] * deg_inv_sqrt[col]
    msg = x[col] * norm[:, None]
    out = jnp.zeros_like(x).at[row].add(msg)
    return out @ W.T + b


def reference(x, edge_index, batch, W1, b1, W2, b2, Wl, bl):
    h = jax.nn.relu(_gcn_layer(x, edge_index, W1, b1))
    h = jax.nn.relu(_gcn_layer(h, edge_index, W2, b2))
    num_graphs = G
    pooled = jnp.zeros((num_graphs, h.shape[-1]), dtype=h.dtype).at[batch].add(h)
    return pooled @ Wl.T + bl

if __name__ == "__main__":
    import jax
    _d = setup_inputs()
    print(jax.jit(kernel)(*tuple(_d.values())))

</pallas_src>

<mosaic_0001>
#map = affine_map<(d0, d1) -> (0, 0)>
#map1 = affine_map<(d0, d1) -> (0, 0, 0)>
module attributes {stable_mosaic.version = 14 : i64} {
  func.func @k(%arg0: i32, %arg1: i32, %arg2: memref<10000x128xf32, #tpu.memory_space<hbm>>, %arg3: memref<32x106x96xi32, #tpu.memory_space<hbm>>, %arg4: memref<32x10176xi32, #tpu.memory_space<hbm>>, %arg5: memref<2x10240x128xf32, #tpu.memory_space<hbm>>, %arg6: memref<10240x128xf32, #tpu.memory_space<vmem_shared>>, %arg7: memref<106x96xi32, #tpu.memory_space<vmem>>, %arg8: memref<10176xi32, #tpu.memory_space<vmem>>, %arg9: memref<96x128xf32, #tpu.memory_space<vmem>>, %arg10: memref<96x128xf32, #tpu.memory_space<vmem>>, %arg11: memref<!tpu.dma_semaphore, #tpu.memory_space<semaphore_mem>>, %arg12: memref<!tpu.dma_semaphore, #tpu.memory_space<semaphore_mem>>) attributes {dimension_semantics = [#tpu.dimension_semantics<core_parallel>, #tpu.dimension_semantics<subcore_parallel>], iteration_bounds = array<i64: 2, 16>, scalar_prefetch = 0 : i64, scratch_operands = 7 : i64, tpu.core_type = #tpu.core_type<sc_vector_subcore>, window_params = [{transform_indices = #map}, {transform_indices = #map1}, {transform_indices = #map}, {transform_indices = #map1}]} {
    %mul3A = arith.constant 2 : i32
    %mul3A_0 = arith.muli %arg1, %mul3A : i32
    %add3A = arith.addi %mul3A_0, %arg0 : i32
    %scan3A = arith.constant 0 : i32
    %scan3A_1 = arith.constant 80 : i32
    %scan3A_2 = arith.addi %scan3A, %scan3A_1 : i32
    %scan3A_3 = arith.constant 1 : i32
    scf.for %scan3A_29 = %scan3A to %scan3A_2 step %scan3A_3  : i32 {
      %mul3A_30 = arith.constant 1 : i32
      %mul3A_31 = arith.muli %scan3A_29, %mul3A_30 : i32
      %add3A_32 = arith.constant 0 : i32
      %add3A_33 = arith.addi %add3A_32, %mul3A_31 : i32
      %scan3A_34 = arith.constant 0 : i32
      %scan3A_35 = arith.constant 8 : i32
      %scan3A_36 = arith.addi %scan3A_34, %scan3A_35 : i32
      %scan3A_37 = arith.constant 1 : i32
      scf.for %scan3A_39 = %scan3A_34 to %scan3A_36 step %scan3A_37  : i32 {
        %mul3A_40 = arith.constant 16 : i32
        %mul3A_41 = arith.muli %scan3A_39, %mul3A_40 : i32
        %add3A_42 = arith.constant 0 : i32
        %add3A_43 = arith.addi %add3A_42, %mul3A_41 : i32
        %broadcast_in_dim3A = arith.constant 0.000000e+00 : f32
        %broadcast_in_dim3A_44 = vector.broadcast %broadcast_in_dim3A : f32 to vector<16xf32>
        %swap3A = arith.index_cast %add3A_33 : i32 to index
        %swap3A_45 = arith.index_cast %add3A_43 : i32 to index
        %swap3A_46 = tpu.vector_load %arg9[%swap3A, %swap3A_45] {strides = array<i32>} : memref<96x128xf32, #tpu.memory_space<vmem>>, vector<1x16xf32>,
        %swap3A_47 = vector.shape_cast %swap3A_46 : vector<1x16xf32> to vector<16xf32>
        %swap3A_48 = vector.shape_cast %broadcast_in_dim3A_44 : vector<16xf32> to vector<1x16xf32>
        tpu.vector_store %arg9[%swap3A, %swap3A_45], %swap3A_48 {strides = array<i32>} : memref<96x128xf32, #tpu.memory_space<vmem>>, vector<1x16xf32>,
      }
      %scan3A_38 = arith.constant 8 : i32
    }
    %scan3A_4 = arith.constant 80 : i32
    %scan3A_5 = arith.constant 0 : i32
    %scan3A_6 = arith.constant 8 : i32
    %scan3A_7 = arith.addi %scan3A_5, %scan3A_6 : i32
    %scan3A_8 = arith.constant 1 : i32
    scf.for %scan3A_29 = %scan3A_5 to %scan3A_7 step %scan3A_8  : i32 {
      %mul3A_30 = arith.constant 80 : i32
      %mul3A_31 = arith.muli %scan3A_29, %mul3A_30 : i32
      %add3A_32 = arith.constant 0 : i32
      %add3A_33 = arith.addi %add3A_32, %mul3A_31 : i32
      %mul3A_34 = arith.constant 640 : i32
      %mul3A_35 = arith.muli %arg1, %mul3A_34 : i32
      %add3A_36 = arith.addi %mul3A_35, %add3A_33 : i32
      "tpu.region"() ({
        %run_scoped3A = tpu.sem_alloc : memref<!tpu.dma_semaphore, #tpu.memory_space<semaphore_mem>>
        %dma_start3A_37 = arith.constant 0 : i32
        %dma_start3A_38 = arith.constant 0 : i32
        %dma_start3A_39 = tpu.memref_slice %arg9[%dma_start3A_37, %dma_start3A_38] : memref<96x128xf32, #tpu.memory_space<vmem>> -> memref<80x128xf32, #tpu.memory_space<vmem>>
        %dma_start3A_40 = arith.constant 0 : i32
        %dma_start3A_41 = tpu.memref_slice %arg6[%add3A_36, %dma_start3A_40] : memref<10240x128xf32, #tpu.memory_space<vmem_shared>> -> memref<80x128xf32, #tpu.memory_space<vmem_shared>>
        %dma_start3A_42 = arith.constant 0 : i32
        %dma_start3A_43 = tpu.memref_slice %arg6[%add3A_36, %dma_start3A_42] : memref<10240x128xf32, #tpu.memory_space<vmem_shared>> -> memref<80x128xf32, #tpu.memory_space<vmem_shared>>
        %dma_start3A_44 = arith.constant 0 : i32
        %dma_start3A_45 = arith.constant 0 : i32
        %dma_start3A_46 = tpu.memref_slice %arg9[%dma_start3A_44, %dma_start3A_45] : memref<96x128xf32, #tpu.memory_space<vmem>> -> memref<80x128xf32, #tpu.memory_space<vmem>>
        tpu.enqueue_dma source(%dma_start3A_46 : memref<80x128xf32, #tpu.memory_space<vmem>>) target(%dma_start3A_43 : memref<80x128xf32, #tpu.memory_space<vmem_shared>>) target_semaphore(%run_scoped3A : memref<!tpu.dma_semaphore, #tpu.memory_space<semaphore_mem>>)
        %dma_wait3A = arith.constant 0 : i32
        %dma_wait3A_47 = arith.constant 0 : i32
        %dma_wait3A_48 = tpu.memref_slice %arg9[%dma_wait3A, %dma_wait3A_47] : memref<96x128xf32, #tpu.memory_space<vmem>> -> memref<80x128xf32, #tpu.memory_space<vmem>>
        %dma_wait3A_49 = arith.constant 0 : i32
        %dma_wait3A_50 = tpu.memref_slice %arg6[%add3A_36, %dma_wait3A_49] : memref<10240x128xf32, #tpu.memory_space<vmem_shared>> -> memref<80x128xf32, #tpu.memory_space<vmem_shared>>
        %dma_wait3A_51 = arith.constant 0 : i32
        %dma_wait3A_52 = tpu.memref_slice %arg6[%add3A_36, %dma_wait3A_51] : memref<10240x128xf32, #tpu.memory_space<vmem_shared>> -> memref<80x128xf32, #tpu.memory_space<vmem_shared>>
        %dma_wait3A_53 = arith.constant 0 : i32
        %dma_wait3A_54 = arith.constant 0 : i32
        %dma_wait3A_55 = tpu.memref_slice %arg9[%dma_wait3A_53, %dma_wait3A_54] : memref<96x128xf32, #tpu.memory_space<vmem>> -> memref<80x128xf32, #tpu.memory_space<vmem>>
        tpu.wait_dma2 semaphore(%run_scoped3A : memref<!tpu.dma_semaphore, #tpu.memory_space<semaphore_mem>>) src(%dma_wait3A_55 : memref<80x128xf32, #tpu.memory_space<vmem>>) dst(%dma_wait3A_52 : memref<80x128xf32, #tpu.memory_space<vmem_shared>>)
        tpu.yield
      }) : () -> ()
    }
    %scan3A_9 = arith.constant 8 : i32
    "tpu.region"() ({
      %run_scoped3A = tpu.sem_alloc : memref<!tpu.dma_semaphore, #tpu.memory_space<semaphore_mem>>
      %dma_start3A_29 = arith.constant 0 : i32
      %dma_start3A_30 = arith.constant 0 : i32
      %dma_start3A_31 = tpu.memref_slice %arg3[%add3A, %dma_start3A_29, %dma_start3A_30] : memref<32x106x96xi32, #tpu.memory_space<hbm>> -> memref<1x106x96xi32, #tpu.memory_space<hbm>>
      %dma_start3A_32 = tpu.memref_squeeze %dma_start3A_31 : memref<1x106x96xi32, #tpu.memory_space<hbm>> -> memref<106x96xi32, #tpu.memory_space<hbm>>
      %dma_start3A_33 = arith.constant 0 : i32
      %dma_start3A_34 = arith.constant 0 : i32
      %dma_start3A_35 = tpu.memref_slice %arg3[%add3A, %dma_start3A_33, %dma_start3A_34] : memref<32x106x96xi32, #tpu.memory_space<hbm>> -> memref<1x106x96xi32, #tpu.memory_space<hbm>>
      %dma_start3A_36 = tpu.memref_squeeze %dma_start3A_35 : memref<1x106x96xi32, #tpu.memory_space<hbm>> -> memref<106x96xi32, #tpu.memory_space<hbm>>
      tpu.enqueue_dma source(%dma_start3A_36 : memref<106x96xi32, #tpu.memory_space<hbm>>) target(%arg7 : memref<106x96xi32, #tpu.memory_space<vmem>>) target_semaphore(%run_scoped3A : memref<!tpu.dma_semaphore, #tpu.memory_space<semaphore_mem>>)
      %dma_wait3A = arith.constant 0 : i32
      %dma_wait3A_37 = arith.constant 0 : i32
      %dma_wait3A_38 = tpu.memref_slice %arg3[%add3A, %dma_wait3A, %dma_wait3A_37] : memref<32x106x96xi32, #tpu.memory_space<hbm>> -> memref<1x106x96xi32, #tpu.memory_space<hbm>>
      %dma_wait3A_39 = tpu.memref_squeeze %dma_wait3A_38 : memref<1x106x96xi32, #tpu.memory_space<hbm>> -> memref<106x96xi32, #tpu.memory_space<hbm>>
      %dma_wait3A_40 = arith.constant 0 : i32
      %dma_wait3A_41 = arith.constant 0 : i32
      %dma_wait3A_42 = tpu.memref_slice %arg3[%add3A, %dma_wait3A_40, %dma_wait3A_41] : memref<32x106x96xi32, #tpu.memory_space<hbm>> -> memref<1x106x96xi32, #tpu.memory_space<hbm>>
      %dma_wait3A_43 = tpu.memref_squeeze %dma_wait3A_42 : memref<1x106x96xi32, #tpu.memory_space<hbm>> -> memref<106x96xi32, #tpu.memory_space<hbm>>
      tpu.wait_dma2 semaphore(%run_scoped3A : memref<!tpu.dma_semaphore, #tpu.memory_space<semaphore_mem>>) src(%dma_wait3A_43 : memref<106x96xi32, #tpu.memory_space<hbm>>) dst(%arg7 : memref<106x96xi32, #tpu.memory_space<vmem>>)
      tpu.yield
    }) : () -> ()
    "tpu.region"() ({
      %run_scoped3A = tpu.sem_alloc : memref<!tpu.dma_semaphore, #tpu.memory_space<semaphore_mem>>
      %dma_start3A_29 = arith.constant 0 : i32
      %dma_start3A_30 = tpu.memref_slice %arg4[%add3A, %dma_start3A_29] : memref<32x10176xi32, #tpu.memory_space<hbm>> -> memref<1x10176xi32, #tpu.memory_space<hbm>>
      %dma_start3A_31 = tpu.memref_squeeze %dma_start3A_30 : memref<1x10176xi32, #tpu.memory_space<hbm>> -> memref<10176xi32, #tpu.memory_space<hbm>>
      %dma_start3A_32 = arith.constant 0 : i32
      %dma_start3A_33 = tpu.memref_slice %arg4[%add3A, %dma_start3A_32] : memref<32x10176xi32, #tpu.memory_space<hbm>> -> memref<1x10176xi32, #tpu.memory_space<hbm>>
      %dma_start3A_34 = tpu.memref_squeeze %dma_start3A_33 : memref<1x10176xi32, #tpu.memory_space<hbm>> -> memref<10176xi32, #tpu.memory_space<hbm>>
      tpu.enqueue_dma source(%dma_start3A_34 : memref<10176xi32, #tpu.memory_space<hbm>>) target(%arg8 : memref<10176xi32, #tpu.memory_space<vmem>>) target_semaphore(%run_scoped3A : memref<!tpu.dma_semaphore, #tpu.memory_space<semaphore_mem>>)
      %dma_wait3A = arith.constant 0 : i32
      %dma_wait3A_35 = tpu.memref_slice %arg4[%add3A, %dma_wait3A] : memref<32x10176xi32, #tpu.memory_space<hbm>> -> memref<1x10176xi32, #tpu.memory_space<hbm>>
      %dma_wait3A_36 = tpu.memref_squeeze %dma_wait3A_35 : memref<1x10176xi32, #tpu.memory_space<hbm>> -> memref<10176xi32, #tpu.memory_space<hbm>>
      %dma_wait3A_37 = arith.constant 0 : i32
      %dma_wait3A_38 = tpu.memref_slice %arg4[%add3A, %dma_wait3A_37] : memref<32x10176xi32, #tpu.memory_space<hbm>> -> memref<1x10176xi32, #tpu.memory_space<hbm>>
      %dma_wait3A_39 = tpu.memref_squeeze %dma_wait3A_38 : memref<1x10176xi32, #tpu.memory_space<hbm>> -> memref<10176xi32, #tpu.memory_space<hbm>>
      tpu.wait_dma2 semaphore(%run_scoped3A : memref<!tpu.dma_semaphore, #tpu.memory_space<semaphore_mem>>) src(%dma_wait3A_39 : memref<10176xi32, #tpu.memory_space<hbm>>) dst(%arg8 : memref<10176xi32, #tpu.memory_space<vmem>>)
      tpu.yield
    }) : () -> ()
    %barrier3A = arith.constant 0 : index
    tpu.barrier barrier_id(%barrier3A)
    %dma_start3A = arith.constant 0 : i32
    %dma_start3A_10 = tpu.memref_slice %arg8[%dma_start3A] : memref<10176xi32, #tpu.memory_space<vmem>> -> memref<96xi32, #tpu.memory_space<vmem>>
    %dma_start3A_11 = arith.constant 0 : i32
    %dma_start3A_12 = arith.constant 0 : i32
    %dma_start3A_13 = tpu.memref_slice %arg2[%dma_start3A_11, %dma_start3A_12] : memref<10000x128xf32, #tpu.memory_space<hbm>> -> memref<10000x128xf32, #tpu.memory_space<hbm>>
    tpu.enqueue_indirect_dma source(%dma_start3A_13 : memref<10000x128xf32, #tpu.memory_space<hbm>>) target(%arg9 : memref<96x128xf32, #tpu.memory_space<vmem>>) offsets(%dma_start3A_10 : memref<96xi32, #tpu.memory_space<vmem>>) semaphore(%arg11 : memref<!tpu.dma_semaphore, #tpu.memory_space<semaphore_mem>>)
    %dma_start3A_14 = arith.constant 96 : i32
    %dma_start3A_15 = tpu.memref_slice %arg8[%dma_start3A_14] : memref<10176xi32, #tpu.memory_space<vmem>> -> memref<96xi32, #tpu.memory_space<vmem>>
    %dma_start3A_16 = arith.constant 0 : i32
    %dma_start3A_17 = arith.constant 0 : i32
    %dma_start3A_18 = tpu.memref_slice %arg2[%dma_start3A_16, %dma_start3A_17] : memref<10000x128xf32, #tpu.memory_space<hbm>> -> memref<10000x128xf32, #tpu.memory_space<hbm>>
    tpu.enqueue_indirect_dma source(%dma_start3A_18 : memref<10000x128xf32, #tpu.memory_space<hbm>>) target(%arg10 : memref<96x128xf32, #tpu.memory_space<vmem>>) offsets(%dma_start3A_15 : memref<96xi32, #tpu.memory_space<vmem>>) semaphore(%arg12 : memref<!tpu.dma_semaphore, #tpu.memory_space<semaphore_mem>>)
    %scan3A_19 = arith.constant 0 : i32
    %scan3A_20 = arith.constant 53 : i32
    %scan3A_21 = arith.addi %scan3A_19, %scan3A_20 : i32
    %scan3A_22 = arith.constant 1 : i32
    scf.for %scan3A_29 = %scan3A_19 to %scan3A_21 step %scan3A_22  : i32 {
      %mul3A_30 = arith.constant 2 : i32
      %mul3A_31 = arith.muli %scan3A_29, %mul3A_30 : i32
      %add3A_32 = arith.constant 0 : i32
      %add3A_33 = arith.addi %add3A_32, %mul3A_31 : i32
      %add3A_34 = arith.constant 0 : i32
      %add3A_35 = arith.addi %add3A_33, %add3A_34 : i32
      %mul3A_36 = arith.constant 96 : i32
      %mul3A_37 = arith.muli %add3A_35, %mul3A_36 : i32
      %dma_wait3A = tpu.memref_slice %arg8[%mul3A_37] : memref<10176xi32, #tpu.memory_space<vmem>> -> memref<96xi32, #tpu.memory_space<vmem>>
      %dma_wait3A_38 = arith.constant 0 : i32
      %dma_wait3A_39 = arith.constant 0 : i32
      %dma_wait3A_40 = tpu.memref_slice %arg2[%dma_wait3A_38, %dma_wait3A_39] : memref<10000x128xf32, #tpu.memory_space<hbm>> -> memref<10000x128xf32, #tpu.memory_space<hbm>>
      tpu.wait_indirect_dma semaphore(%arg11 : memref<!tpu.dma_semaphore, #tpu.memory_space<semaphore_mem>>) src(%dma_wait3A_40 : memref<10000x128xf32, #tpu.memory_space<hbm>>) dst(%arg9 : memref<96x128xf32, #tpu.memory_space<vmem>>)
      "tpu.region"() ({
        %run_scoped3A = tpu.sem_alloc : memref<!tpu.dma_semaphore, #tpu.memory_space<semaphore_mem>>
        %dma_start3A_60 = arith.constant 0 : i32
        %dma_start3A_61 = tpu.memref_slice %arg7[%add3A_35, %dma_start3A_60] : memref<106x96xi32, #tpu.memory_space<vmem>> -> memref<1x96xi32, #tpu.memory_space<vmem>>
        %dma_start3A_62 = tpu.memref_squeeze %dma_start3A_61 : memref<1x96xi32, #tpu.memory_space<vmem>> -> memref<96xi32, #tpu.memory_space<vmem>>
        %dma_start3A_63 = arith.constant 0 : i32
        %dma_start3A_64 = arith.constant 0 : i32
        %dma_start3A_65 = tpu.memref_slice %arg6[%dma_start3A_63, %dma_start3A_64] : memref<10240x128xf32, #tpu.memory_space<vmem_shared>> -> memref<10240x128xf32, #tpu.memory_space<vmem_shared>>
        tpu.enqueue_indirect_dma source(%arg9 : memref<96x128xf32, #tpu.memory_space<vmem>>) target(%dma_start3A_65 : memref<10240x128xf32, #tpu.memory_space<vmem_shared>>) offsets(%dma_start3A_62 : memref<96xi32, #tpu.memory_space<vmem>>) semaphore(%run_scoped3A : memref<!tpu.dma_semaphore, #tpu.memory_space<semaphore_mem>>) {add = true}
        %dma_wait3A_66 = arith.constant 0 : i32
        %dma_wait3A_67 = tpu.memref_slice %arg7[%add3A_35, %dma_wait3A_66] : memref<106x96xi32, #tpu.memory_space<vmem>> -> memref<1x96xi32, #tpu.memory_space<vmem>>
        %dma_wait3A_68 = tpu.memref_squeeze %dma_wait3A_67 : memref<1x96xi32, #tpu.memory_space<vmem>> -> memref<96xi32, #tpu.memory_space<vmem>>
        %dma_wait3A_69 = arith.constant 0 : i32
        %dma_wait3A_70 = arith.constant 0 : i32
        %dma_wait3A_71 = tpu.memref_slice %arg6[%dma_wait3A_69, %dma_wait3A_70] : memref<10240x128xf32, #tpu.memory_space<vmem_shared>> -> memref<10240x128xf32, #tpu.memory_space<vmem_shared>>
        tpu.wait_indirect_dma semaphore(%run_scoped3A : memref<!tpu.dma_semaphore, #tpu.memory_space<semaphore_mem>>) src(%arg9 : memref<96x128xf32, #tpu.memory_space<vmem>>) dst(%dma_wait3A_71 : memref<10240x128xf32, #tpu.memory_space<vmem_shared>>)
        tpu.yield
      }) : () -> ()
      %add3A_41 = arith.constant 2 : i32
      %add3A_42 = arith.addi %add3A_35, %add3A_41 : i32
      %lt3A = arith.constant 106 : i32
      %lt3A_43 = arith.cmpi slt, %add3A_42, %lt3A : i32
      %convert_element_type3A = arith.extui %lt3A_43 : i1 to i32
      %cond3A = arith.constant 0 : i32
      %cond3A_44 = arith.cmpi ne, %convert_element_type3A, %cond3A : i32
      scf.if %cond3A_44 {
        %add3A_60 = arith.constant 2 : i32
        %add3A_61 = arith.addi %add3A_35, %add3A_60 : i32
        %mul3A_62 = arith.constant 96 : i32
        %mul3A_63 = arith.muli %add3A_61, %mul3A_62 : i32
        %dma_start3A_64 = tpu.memref_slice %arg8[%mul3A_63] : memref<10176xi32, #tpu.memory_space<vmem>> -> memref<96xi32, #tpu.memory_space<vmem>>
        %dma_start3A_65 = arith.constant 0 : i32
        %dma_start3A_66 = arith.constant 0 : i32
        %dma_start3A_67 = tpu.memref_slice %arg2[%dma_start3A_65, %dma_start3A_66] : memref<10000x128xf32, #tpu.memory_space<hbm>> -> memref<10000x128xf32, #tpu.memory_space<hbm>>
        tpu.enqueue_indirect_dma source(%dma_start3A_67 : memref<10000x128xf32, #tpu.memory_space<hbm>>) target(%arg9 : memref<96x128xf32, #tpu.memory_space<vmem>>) offsets(%dma_start3A_64 : memref<96xi32, #tpu.memory_space<vmem>>) semaphore(%arg11 : memref<!tpu.dma_semaphore, #tpu.memory_space<semaphore_mem>>)
      } else {
      }
      %add3A_45 = arith.constant 1 : i32
      %add3A_46 = arith.addi %add3A_33, %add3A_45 : i32
      %mul3A_47 = arith.constant 96 : i32
      %mul3A_48 = arith.muli %add3A_46, %mul3A_47 : i32
      %dma_wait3A_49 = tpu.memref_slice %arg8[%mul3A_48] : memref<10176xi32, #tpu.memory_space<vmem>> -> memref<96xi32, #tpu.memory_space<vmem>>
      %dma_wait3A_50 = arith.constant 0 : i32
      %dma_wait3A_51 = arith.constant 0 : i32
      %dma_wait3A_52 = tpu.memref_slice %arg2[%dma_wait3A_50, %dma_wait3A_51] : memref<10000x128xf32, #tpu.memory_space<hbm>> -> memref<10000x128xf32, #tpu.memory_space<hbm>>
      tpu.wait_indirect_dma semaphore(%arg12 : memref<!tpu.dma_semaphore, #tpu.memory_space<semaphore_mem>>) src(%dma_wait3A_52 : memref<10000x128xf32, #tpu.memory_space<hbm>>) dst(%arg10 : memref<96x128xf32, #tpu.memory_space<vmem>>)
      "tpu.region"() ({
        %run_scoped3A = tpu.sem_alloc : memref<!tpu.dma_semaphore, #tpu.memory_space<semaphore_mem>>
        %dma_start3A_60 = arith.constant 0 : i32
        %dma_start3A_61 = tpu.memref_slice %arg7[%add3A_46, %dma_start3A_60] : memref<106x96xi32, #tpu.memory_space<vmem>> -> memref<1x96xi32, #tpu.memory_space<vmem>>
        %dma_start3A_62 = tpu.memref_squeeze %dma_start3A_61 : memref<1x96xi32, #tpu.memory_space<vmem>> -> memref<96xi32, #tpu.memory_space<vmem>>
        %dma_start3A_63 = arith.constant 0 : i32
        %dma_start3A_64 = arith.constant 0 : i32
        %dma_start3A_65 = tpu.memref_slice %arg6[%dma_start3A_63, %dma_start3A_64] : memref<10240x128xf32, #tpu.memory_space<vmem_shared>> -> memref<10240x128xf32, #tpu.memory_space<vmem_shared>>
        tpu.enqueue_indirect_dma source(%arg10 : memref<96x128xf32, #tpu.memory_space<vmem>>) target(%dma_start3A_65 : memref<10240x128xf32, #tpu.memory_space<vmem_shared>>) offsets(%dma_start3A_62 : memref<96xi32, #tpu.memory_space<vmem>>) semaphore(%run_scoped3A : memref<!tpu.dma_semaphore, #tpu.memory_space<semaphore_mem>>) {add = true}
        %dma_wait3A_66 = arith.constant 0 : i32
        %dma_wait3A_67 = tpu.memref_slice %arg7[%add3A_46, %dma_wait3A_66] : memref<106x96xi32, #tpu.memory_space<vmem>> -> memref<1x96xi32, #tpu.memory_space<vmem>>
        %dma_wait3A_68 = tpu.memref_squeeze %dma_wait3A_67 : memref<1x96xi32, #tpu.memory_space<vmem>> -> memref<96xi32, #tpu.memory_space<vmem>>
        %dma_wait3A_69 = arith.constant 0 : i32
        %dma_wait3A_70 = arith.constant 0 : i32
        %dma_wait3A_71 = tpu.memref_slice %arg6[%dma_wait3A_69, %dma_wait3A_70] : memref<10240x128xf32, #tpu.memory_space<vmem_shared>> -> memref<10240x128xf32, #tpu.memory_space<vmem_shared>>
        tpu.wait_indirect_dma semaphore(%run_scoped3A : memref<!tpu.dma_semaphore, #tpu.memory_space<semaphore_mem>>) src(%arg10 : memref<96x128xf32, #tpu.memory_space<vmem>>) dst(%dma_wait3A_71 : memref<10240x128xf32, #tpu.memory_space<vmem_shared>>)
        tpu.yield
      }) : () -> ()
      %add3A_53 = arith.constant 2 : i32
      %add3A_54 = arith.addi %add3A_46, %add3A_53 : i32
      %lt3A_55 = arith.constant 106 : i32
      %lt3A_56 = arith.cmpi slt, %add3A_54, %lt3A_55 : i32
      %convert_element_type3A_57 = arith.extui %lt3A_56 : i1 to i32
      %cond3A_58 = arith.constant 0 : i32
      %cond3A_59 = arith.cmpi ne, %convert_element_type3A_57, %cond3A_58 : i32
      scf.if %cond3A_59 {
        %add3A_60 = arith.constant 2 : i32
        %add3A_61 = arith.addi %add3A_46, %add3A_60 : i32
        %mul3A_62 = arith.constant 96 : i32
        %mul3A_63 = arith.muli %add3A_61, %mul3A_62 : i32
        %dma_start3A_64 = tpu.memref_slice %arg8[%mul3A_63] : memref<10176xi32, #tpu.memory_space<vmem>> -> memref<96xi32, #tpu.memory_space<vmem>>
        %dma_start3A_65 = arith.constant 0 : i32
        %dma_start3A_66 = arith.constant 0 : i32
        %dma_start3A_67 = tpu.memref_slice %arg2[%dma_start3A_65, %dma_start3A_66] : memref<10000x128xf32, #tpu.memory_space<hbm>> -> memref<10000x128xf32, #tpu.memory_space<hbm>>
        tpu.enqueue_indirect_dma source(%dma_start3A_67 : memref<10000x128xf32, #tpu.memory_space<hbm>>) target(%arg10 : memref<96x128xf32, #tpu.memory_space<vmem>>) offsets(%dma_start3A_64 : memref<96xi32, #tpu.memory_space<vmem>>) semaphore(%arg12 : memref<!tpu.dma_semaphore, #tpu.memory_space<semaphore_mem>>)
      } else {
      }
    }
    %scan3A_23 = arith.constant 53 : i32
    %barrier3A_24 = arith.constant 0 : index
    tpu.barrier barrier_id(%barrier3A_24)
    %mul3A_25 = arith.constant 640 : i32
    %mul3A_26 = arith.muli %arg1, %mul3A_25 : i32
    %mul3A_27 = arith.constant 640 : i32
    %mul3A_28 = arith.muli %arg1, %mul3A_27 : i32
    "tpu.region"() ({
      %run_scoped3A = tpu.sem_alloc : memref<!tpu.dma_semaphore, #tpu.memory_space<semaphore_mem>>
      %dma_start3A_29 = arith.constant 0 : i32
      %dma_start3A_30 = arith.constant 0 : i32
      %dma_start3A_31 = tpu.memref_slice %arg5[%arg0, %dma_start3A_29, %dma_start3A_30] : memref<2x10240x128xf32, #tpu.memory_space<hbm>> -> memref<1x10240x128xf32, #tpu.memory_space<hbm>>
      %dma_start3A_32 = tpu.memref_squeeze %dma_start3A_31 : memref<1x10240x128xf32, #tpu.memory_space<hbm>> -> memref<10240x128xf32, #tpu.memory_space<hbm>>
      %dma_start3A_33 = arith.constant 0 : i32
      %dma_start3A_34 = tpu.memref_slice %dma_start3A_32[%mul3A_28, %dma_start3A_33] : memref<10240x128xf32, #tpu.memory_space<hbm>> -> memref<640x128xf32, #tpu.memory_space<hbm>>
      %dma_start3A_35 = arith.constant 0 : i32
      %dma_start3A_36 = tpu.memref_slice %arg6[%mul3A_26, %dma_start3A_35] : memref<10240x128xf32, #tpu.memory_space<vmem_shared>> -> memref<640x128xf32, #tpu.memory_space<vmem_shared>>
      tpu.enqueue_dma source(%dma_start3A_36 : memref<640x128xf32, #tpu.memory_space<vmem_shared>>) target(%dma_start3A_34 : memref<640x128xf32, #tpu.memory_space<hbm>>) target_semaphore(%run_scoped3A : memref<!tpu.dma_semaphore, #tpu.memory_space<semaphore_mem>>)
      %dma_wait3A = arith.constant 0 : i32
      %dma_wait3A_37 = arith.constant 0 : i32
      %dma_wait3A_38 = tpu.memref_slice %arg5[%arg0, %dma_wait3A, %dma_wait3A_37] : memref<2x10240x128xf32, #tpu.memory_space<hbm>> -> memref<1x10240x128xf32, #tpu.memory_space<hbm>>
      %dma_wait3A_39 = tpu.memref_squeeze %dma_wait3A_38 : memref<1x10240x128xf32, #tpu.memory_space<hbm>> -> memref<10240x128xf32, #tpu.memory_space<hbm>>
      %dma_wait3A_40 = arith.constant 0 : i32
      %dma_wait3A_41 = tpu.memref_slice %dma_wait3A_39[%mul3A_28, %dma_wait3A_40] : memref<10240x128xf32, #tpu.memory_space<hbm>> -> memref<640x128xf32, #tpu.memory_space<hbm>>
      %dma_wait3A_42 = arith.constant 0 : i32
      %dma_wait3A_43 = tpu.memref_slice %arg6[%mul3A_26, %dma_wait3A_42] : memref<10240x128xf32, #tpu.memory_space<vmem_shared>> -> memref<640x128xf32, #tpu.memory_space<vmem_shared>>
      tpu.wait_dma2 semaphore(%run_scoped3A : memref<!tpu.dma_semaphore, #tpu.memory_space<semaphore_mem>>) src(%dma_wait3A_43 : memref<640x128xf32, #tpu.memory_space<vmem_shared>>) dst(%dma_wait3A_41 : memref<640x128xf32, #tpu.memory_space<hbm>>)
      tpu.yield
    }) : () -> ()
    return
  }
}

#map = affine_map<(d0, d1) -> (0, 0)>
module attributes {stable_mosaic.version = 14 : i64} {
  func.func @k(%arg0: i32, %arg1: i32, %arg2: memref<32x10000xi32, #tpu.memory_space<hbm>>, %arg3: memref<32x10000xf32, #tpu.memory_space<hbm>>, %arg4: memref<10000xf32, #tpu.memory_space<vmem>>, %arg5: memref<10000xi32, #tpu.memory_space<vmem>>) attributes {dimension_semantics = [#tpu.dimension_semantics<core_parallel>, #tpu.dimension_semantics<subcore_parallel>], iteration_bounds = array<i64: 2, 16>, scalar_prefetch = 0 : i64, scratch_operands = 2 : i64, tpu.core_type = #tpu.core_type<sc_vector_subcore>, window_params = [{transform_indices = #map}, {transform_indices = #map}]} {
    %mul3A = arith.constant 2 : i32
    %mul3A_0 = arith.muli %arg1, %mul3A : i32
    %add3A = arith.addi %mul3A_0, %arg0 : i32
    %scan3A = arith.constant 0 : i32
    %scan3A_1 = arith.constant 625 : i32
    %scan3A_2 = arith.addi %scan3A, %scan3A_1 : i32
    %scan3A_3 = arith.constant 1 : i32
    scf.for %scan3A_11 = %scan3A to %scan3A_2 step %scan3A_3  : i32 {
      %mul3A_12 = arith.constant 16 : i32
      %mul3A_13 = arith.muli %scan3A_11, %mul3A_12 : i32
      %add3A_14 = arith.constant 0 : i32
      %add3A_15 = arith.addi %add3A_14, %mul3A_13 : i32
      %broadcast_in_dim3A_16 = arith.constant 0.000000e+00 : f32
      %broadcast_in_dim3A_17 = vector.broadcast %broadcast_in_dim3A_16 : f32 to vector<16xf32>
      %swap3A = arith.index_cast %add3A_15 : i32 to index
      %swap3A_18 = tpu.vector_load %arg4[%swap3A] {strides = array<i32>} : memref<10000xf32, #tpu.memory_space<vmem>>, vector<16xf32>,
      tpu.vector_store %arg4[%swap3A], %broadcast_in_dim3A_17 {strides = array<i32>} : memref<10000xf32, #tpu.memory_space<vmem>>, vector<16xf32>,
    }
    %scan3A_4 = arith.constant 625 : i32
    "tpu.region"() ({
      %run_scoped3A = tpu.sem_alloc : memref<!tpu.dma_semaphore, #tpu.memory_space<semaphore_mem>>
      %dma_start3A = arith.constant 0 : i32
      %dma_start3A_11 = tpu.memref_slice %arg2[%add3A, %dma_start3A] : memref<32x10000xi32, #tpu.memory_space<hbm>> -> memref<1x10000xi32, #tpu.memory_space<hbm>>
      %dma_start3A_12 = tpu.memref_squeeze %dma_start3A_11 : memref<1x10000xi32, #tpu.memory_space<hbm>> -> memref<10000xi32, #tpu.memory_space<hbm>>
      %dma_start3A_13 = arith.constant 0 : i32
      %dma_start3A_14 = tpu.memref_slice %arg2[%add3A, %dma_start3A_13] : memref<32x10000xi32, #tpu.memory_space<hbm>> -> memref<1x10000xi32, #tpu.memory_space<hbm>>
      %dma_start3A_15 = tpu.memref_squeeze %dma_start3A_14 : memref<1x10000xi32, #tpu.memory_space<hbm>> -> memref<10000xi32, #tpu.memory_space<hbm>>
      tpu.enqueue_dma source(%dma_start3A_15 : memref<10000xi32, #tpu.memory_space<hbm>>) target(%arg5 : memref<10000xi32, #tpu.memory_space<vmem>>) target_semaphore(%run_scoped3A : memref<!tpu.dma_semaphore, #tpu.memory_space<semaphore_mem>>)
      %dma_wait3A = arith.constant 0 : i32
      %dma_wait3A_16 = tpu.memref_slice %arg2[%add3A, %dma_wait3A] : memref<32x10000xi32, #tpu.memory_space<hbm>> -> memref<1x10000xi32, #tpu.memory_space<hbm>>
      %dma_wait3A_17 = tpu.memref_squeeze %dma_wait3A_16 : memref<1x10000xi32, #tpu.memory_space<hbm>> -> memref<10000xi32, #tpu.memory_space<hbm>>
      %dma_wait3A_18 = arith.constant 0 : i32
      %dma_wait3A_19 = tpu.memref_slice %arg2[%add3A, %dma_wait3A_18] : memref<32x10000xi32, #tpu.memory_space<hbm>> -> memref<1x10000xi32, #tpu.memory_space<hbm>>
      %dma_wait3A_20 = tpu.memref_squeeze %dma_wait3A_19 : memref<1x10000xi32, #tpu.memory_space<hbm>> -> memref<10000xi32, #tpu.memory_space<hbm>>
      tpu.wait_dma2 semaphore(%run_scoped3A : memref<!tpu.dma_semaphore, #tpu.memory_space<semaphore_mem>>) src(%dma_wait3A_20 : memref<10000xi32, #tpu.memory_space<hbm>>) dst(%arg5 : memref<10000xi32, #tpu.memory_space<vmem>>)
      tpu.yield
    }) : () -> ()
    %broadcast_in_dim3A = arith.constant 1.000000e+00 : f32
    %broadcast_in_dim3A_5 = vector.broadcast %broadcast_in_dim3A : f32 to vector<16xf32>
    %scan3A_6 = arith.constant 0 : i32
    %scan3A_7 = arith.constant 625 : i32
    %scan3A_8 = arith.addi %scan3A_6, %scan3A_7 : i32
    %scan3A_9 = arith.constant 1 : i32
    scf.for %scan3A_11 = %scan3A_6 to %scan3A_8 step %scan3A_9  : i32 {
      %mul3A_12 = arith.constant 16 : i32
      %mul3A_13 = arith.muli %scan3A_11, %mul3A_12 : i32
      %add3A_14 = arith.constant 0 : i32
      %add3A_15 = arith.addi %add3A_14, %mul3A_13 : i32
      %get3A = arith.index_cast %add3A_15 : i32 to index
      %get3A_16 = tpu.vector_load %arg5[%get3A] {strides = array<i32>} : memref<10000xi32, #tpu.memory_space<vmem>>, vector<16xi32>,
      tpu.vector_store_idx %arg4[%get3A_16], %broadcast_in_dim3A_5 {add = true} : memref<10000xf32, #tpu.memory_space<vmem>>[vector<16xi32>], vector<16xf32>,
    }
    %scan3A_10 = arith.constant 625 : i32
    "tpu.region"() ({
      %run_scoped3A = tpu.sem_alloc : memref<!tpu.dma_semaphore, #tpu.memory_space<semaphore_mem>>
      %dma_start3A = arith.constant 0 : i32
      %dma_start3A_11 = tpu.memref_slice %arg3[%add3A, %dma_start3A] : memref<32x10000xf32, #tpu.memory_space<hbm>> -> memref<1x10000xf32, #tpu.memory_space<hbm>>
      %dma_start3A_12 = tpu.memref_squeeze %dma_start3A_11 : memref<1x10000xf32, #tpu.memory_space<hbm>> -> memref<10000xf32, #tpu.memory_space<hbm>>
      %dma_start3A_13 = arith.constant 0 : i32
      %dma_start3A_14 = tpu.memref_slice %arg3[%add3A, %dma_start3A_13] : memref<32x10000xf32, #tpu.memory_space<hbm>> -> memref<1x10000xf32, #tpu.memory_space<hbm>>
      %dma_start3A_15 = tpu.memref_squeeze %dma_start3A_14 : memref<1x10000xf32, #tpu.memory_space<hbm>> -> memref<10000xf32, #tpu.memory_space<hbm>>
      tpu.enqueue_dma source(%arg4 : memref<10000xf32, #tpu.memory_space<vmem>>) target(%dma_start3A_15 : memref<10000xf32, #tpu.memory_space<hbm>>) target_semaphore(%run_scoped3A : memref<!tpu.dma_semaphore, #tpu.memory_space<semaphore_mem>>)
      %dma_wait3A = arith.constant 0 : i32
      %dma_wait3A_16 = tpu.memref_slice %arg3[%add3A, %dma_wait3A] : memref<32x10000xf32, #tpu.memory_space<hbm>> -> memref<1x10000xf32, #tpu.memory_space<hbm>>
      %dma_wait3A_17 = tpu.memref_squeeze %dma_wait3A_16 : memref<1x10000xf32, #tpu.memory_space<hbm>> -> memref<10000xf32, #tpu.memory_space<hbm>>
      %dma_wait3A_18 = arith.constant 0 : i32
      %dma_wait3A_19 = tpu.memref_slice %arg3[%add3A, %dma_wait3A_18] : memref<32x10000xf32, #tpu.memory_space<hbm>> -> memref<1x10000xf32, #tpu.memory_space<hbm>>
      %dma_wait3A_20 = tpu.memref_squeeze %dma_wait3A_19 : memref<1x10000xf32, #tpu.memory_space<hbm>> -> memref<10000xf32, #tpu.memory_space<hbm>>
      tpu.wait_dma2 semaphore(%run_scoped3A : memref<!tpu.dma_semaphore, #tpu.memory_space<semaphore_mem>>) src(%arg4 : memref<10000xf32, #tpu.memory_space<vmem>>) dst(%dma_wait3A_20 : memref<10000xf32, #tpu.memory_space<hbm>>)
      tpu.yield
    }) : () -> ()
    return
  }
}

#map = affine_map<(d0, d1) -> (0, 0)>
#map1 = affine_map<(d0, d1) -> (0, 0, 0)>
module attributes {stable_mosaic.version = 14 : i64} {
  func.func @k(%arg0: i32, %arg1: i32, %arg2: memref<10000x128xf32, #tpu.memory_space<hbm>>, %arg3: memref<32x106x96xi32, #tpu.memory_space<hbm>>, %arg4: memref<32x10176xi32, #tpu.memory_space<hbm>>, %arg5: memref<2x10240x128xf32, #tpu.memory_space<hbm>>, %arg6: memref<10240x128xf32, #tpu.memory_space<vmem_shared>>, %arg7: memref<106x96xi32, #tpu.memory_space<vmem>>, %arg8: memref<10176xi32, #tpu.memory_space<vmem>>, %arg9: memref<96x128xf32, #tpu.memory_space<vmem>>, %arg10: memref<96x128xf32, #tpu.memory_space<vmem>>, %arg11: memref<!tpu.dma_semaphore, #tpu.memory_space<semaphore_mem>>, %arg12: memref<!tpu.dma_semaphore, #tpu.memory_space<semaphore_mem>>) attributes {dimension_semantics = [#tpu.dimension_semantics<core_parallel>, #tpu.dimension_semantics<subcore_parallel>], iteration_bounds = array<i64: 2, 16>, scalar_prefetch = 0 : i64, scratch_operands = 7 : i64, tpu.core_type = #tpu.core_type<sc_vector_subcore>, window_params = [{transform_indices = #map}, {transform_indices = #map1}, {transform_indices = #map}, {transform_indices = #map1}]} {
    %mul3A = arith.constant 2 : i32
    %mul3A_0 = arith.muli %arg1, %mul3A : i32
    %add3A = arith.addi %mul3A_0, %arg0 : i32
    %scan3A = arith.constant 0 : i32
    %scan3A_1 = arith.constant 80 : i32
    %scan3A_2 = arith.addi %scan3A, %scan3A_1 : i32
    %scan3A_3 = arith.constant 1 : i32
    scf.for %scan3A_29 = %scan3A to %scan3A_2 step %scan3A_3  : i32 {
      %mul3A_30 = arith.constant 1 : i32
      %mul3A_31 = arith.muli %scan3A_29, %mul3A_30 : i32
      %add3A_32 = arith.constant 0 : i32
      %add3A_33 = arith.addi %add3A_32, %mul3A_31 : i32
      %scan3A_34 = arith.constant 0 : i32
      %scan3A_35 = arith.constant 8 : i32
      %scan3A_36 = arith.addi %scan3A_34, %scan3A_35 : i32
      %scan3A_37 = arith.constant 1 : i32
      scf.for %scan3A_39 = %scan3A_34 to %scan3A_36 step %scan3A_37  : i32 {
        %mul3A_40 = arith.constant 16 : i32
        %mul3A_41 = arith.muli %scan3A_39, %mul3A_40 : i32
        %add3A_42 = arith.constant 0 : i32
        %add3A_43 = arith.addi %add3A_42, %mul3A_41 : i32
        %broadcast_in_dim3A = arith.constant 0.000000e+00 : f32
        %broadcast_in_dim3A_44 = vector.broadcast %broadcast_in_dim3A : f32 to vector<16xf32>
        %swap3A = arith.index_cast %add3A_33 : i32 to index
        %swap3A_45 = arith.index_cast %add3A_43 : i32 to index
        %swap3A_46 = tpu.vector_load %arg9[%swap3A, %swap3A_45] {strides = array<i32>} : memref<96x128xf32, #tpu.memory_space<vmem>>, vector<1x16xf32>,
        %swap3A_47 = vector.shape_cast %swap3A_46 : vector<1x16xf32> to vector<16xf32>
        %swap3A_48 = vector.shape_cast %broadcast_in_dim3A_44 : vector<16xf32> to vector<1x16xf32>
        tpu.vector_store %arg9[%swap3A, %swap3A_45], %swap3A_48 {strides = array<i32>} : memref<96x128xf32, #tpu.memory_space<vmem>>, vector<1x16xf32>,
      }
      %scan3A_38 = arith.constant 8 : i32
    }
    %scan3A_4 = arith.constant 80 : i32
    %scan3A_5 = arith.constant 0 : i32
    %scan3A_6 = arith.constant 8 : i32
    %scan3A_7 = arith.addi %scan3A_5, %scan3A_6 : i32
    %scan3A_8 = arith.constant 1 : i32
    scf.for %scan3A_29 = %scan3A_5 to %scan3A_7 step %scan3A_8  : i32 {
      %mul3A_30 = arith.constant 80 : i32
      %mul3A_31 = arith.muli %scan3A_29, %mul3A_30 : i32
      %add3A_32 = arith.constant 0 : i32
      %add3A_33 = arith.addi %add3A_32, %mul3A_31 : i32
      %mul3A_34 = arith.constant 640 : i32
      %mul3A_35 = arith.muli %arg1, %mul3A_34 : i32
      %add3A_36 = arith.addi %mul3A_35, %add3A_33 : i32
      "tpu.region"() ({
        %run_scoped3A = tpu.sem_alloc : memref<!tpu.dma_semaphore, #tpu.memory_space<semaphore_mem>>
        %dma_start3A_37 = arith.constant 0 : i32
        %dma_start3A_38 = arith.constant 0 : i32
        %dma_start3A_39 = tpu.memref_slice %arg9[%dma_start3A_37, %dma_start3A_38] : memref<96x128xf32, #tpu.memory_space<vmem>> -> memref<80x128xf32, #tpu.memory_space<vmem>>
        %dma_start3A_40 = arith.constant 0 : i32
        %dma_start3A_41 = tpu.memref_slice %arg6[%add3A_36, %dma_start3A_40] : memref<10240x128xf32, #tpu.memory_space<vmem_shared>> -> memref<80x128xf32, #tpu.memory_space<vmem_shared>>
        %dma_start3A_42 = arith.constant 0 : i32
        %dma_start3A_43 = tpu.memref_slice %arg6[%add3A_36, %dma_start3A_42] : memref<10240x128xf32, #tpu.memory_space<vmem_shared>> -> memref<80x128xf32, #tpu.memory_space<vmem_shared>>
        %dma_start3A_44 = arith.constant 0 : i32
        %dma_start3A_45 = arith.constant 0 : i32
        %dma_start3A_46 = tpu.memref_slice %arg9[%dma_start3A_44, %dma_start3A_45] : memref<96x128xf32, #tpu.memory_space<vmem>> -> memref<80x128xf32, #tpu.memory_space<vmem>>
        tpu.enqueue_dma source(%dma_start3A_46 : memref<80x128xf32, #tpu.memory_space<vmem>>) target(%dma_start3A_43 : memref<80x128xf32, #tpu.memory_space<vmem_shared>>) target_semaphore(%run_scoped3A : memref<!tpu.dma_semaphore, #tpu.memory_space<semaphore_mem>>)
        %dma_wait3A = arith.constant 0 : i32
        %dma_wait3A_47 = arith.constant 0 : i32
        %dma_wait3A_48 = tpu.memref_slice %arg9[%dma_wait3A, %dma_wait3A_47] : memref<96x128xf32, #tpu.memory_space<vmem>> -> memref<80x128xf32, #tpu.memory_space<vmem>>
        %dma_wait3A_49 = arith.constant 0 : i32
        %dma_wait3A_50 = tpu.memref_slice %arg6[%add3A_36, %dma_wait3A_49] : memref<10240x128xf32, #tpu.memory_space<vmem_shared>> -> memref<80x128xf32, #tpu.memory_space<vmem_shared>>
        %dma_wait3A_51 = arith.constant 0 : i32
        %dma_wait3A_52 = tpu.memref_slice %arg6[%add3A_36, %dma_wait3A_51] : memref<10240x128xf32, #tpu.memory_space<vmem_shared>> -> memref<80x128xf32, #tpu.memory_space<vmem_shared>>
        %dma_wait3A_53 = arith.constant 0 : i32
        %dma_wait3A_54 = arith.constant 0 : i32
        %dma_wait3A_55 = tpu.memref_slice %arg9[%dma_wait3A_53, %dma_wait3A_54] : memref<96x128xf32, #tpu.memory_space<vmem>> -> memref<80x128xf32, #tpu.memory_space<vmem>>
        tpu.wait_dma2 semaphore(%run_scoped3A : memref<!tpu.dma_semaphore, #tpu.memory_space<semaphore_mem>>) src(%dma_wait3A_55 : memref<80x128xf32, #tpu.memory_space<vmem>>) dst(%dma_wait3A_52 : memref<80x128xf32, #tpu.memory_space<vmem_shared>>)
        tpu.yield
      }) : () -> ()
    }
    %scan3A_9 = arith.constant 8 : i32
    "tpu.region"() ({
      %run_scoped3A = tpu.sem_alloc : memref<!tpu.dma_semaphore, #tpu.memory_space<semaphore_mem>>
      %dma_start3A_29 = arith.constant 0 : i32
      %dma_start3A_30 = arith.constant 0 : i32
      %dma_start3A_31 = tpu.memref_slice %arg3[%add3A, %dma_start3A_29, %dma_start3A_30] : memref<32x106x96xi32, #tpu.memory_space<hbm>> -> memref<1x106x96xi32, #tpu.memory_space<hbm>>
      %dma_start3A_32 = tpu.memref_squeeze %dma_start3A_31 : memref<1x106x96xi32, #tpu.memory_space<hbm>> -> memref<106x96xi32, #tpu.memory_space<hbm>>
      %dma_start3A_33 = arith.constant 0 : i32
      %dma_start3A_34 = arith.constant 0 : i32
      %dma_start3A_35 = tpu.memref_slice %arg3[%add3A, %dma_start3A_33, %dma_start3A_34] : memref<32x106x96xi32, #tpu.memory_space<hbm>> -> memref<1x106x96xi32, #tpu.memory_space<hbm>>
      %dma_start3A_36 = tpu.memref_squeeze %dma_start3A_35 : memref<1x106x96xi32, #tpu.memory_space<hbm>> -> memref<106x96xi32, #tpu.memory_space<hbm>>
      tpu.enqueue_dma source(%dma_start3A_36 : memref<106x96xi32, #tpu.memory_space<hbm>>) target(%arg7 : memref<106x96xi32, #tpu.memory_space<vmem>>) target_semaphore(%run_scoped3A : memref<!tpu.dma_semaphore, #tpu.memory_space<semaphore_mem>>)
      %dma_wait3A = arith.constant 0 : i32
      %dma_wait3A_37 = arith.constant 0 : i32
      %dma_wait3A_38 = tpu.memref_slice %arg3[%add3A, %dma_wait3A, %dma_wait3A_37] : memref<32x106x96xi32, #tpu.memory_space<hbm>> -> memref<1x106x96xi32, #tpu.memory_space<hbm>>
      %dma_wait3A_39 = tpu.memref_squeeze %dma_wait3A_38 : memref<1x106x96xi32, #tpu.memory_space<hbm>> -> memref<106x96xi32, #tpu.memory_space<hbm>>
      %dma_wait3A_40 = arith.constant 0 : i32
      %dma_wait3A_41 = arith.constant 0 : i32
      %dma_wait3A_42 = tpu.memref_slice %arg3[%add3A, %dma_wait3A_40, %dma_wait3A_41] : memref<32x106x96xi32, #tpu.memory_space<hbm>> -> memref<1x106x96xi32, #tpu.memory_space<hbm>>
      %dma_wait3A_43 = tpu.memref_squeeze %dma_wait3A_42 : memref<1x106x96xi32, #tpu.memory_space<hbm>> -> memref<106x96xi32, #tpu.memory_space<hbm>>
      tpu.wait_dma2 semaphore(%run_scoped3A : memref<!tpu.dma_semaphore, #tpu.memory_space<semaphore_mem>>) src(%dma_wait3A_43 : memref<106x96xi32, #tpu.memory_space<hbm>>) dst(%arg7 : memref<106x96xi32, #tpu.memory_space<vmem>>)
      tpu.yield
    }) : () -> ()
    "tpu.region"() ({
      %run_scoped3A = tpu.sem_alloc : memref<!tpu.dma_semaphore, #tpu.memory_space<semaphore_mem>>
      %dma_start3A_29 = arith.constant 0 : i32
      %dma_start3A_30 = tpu.memref_slice %arg4[%add3A, %dma_start3A_29] : memref<32x10176xi32, #tpu.memory_space<hbm>> -> memref<1x10176xi32, #tpu.memory_space<hbm>>
      %dma_start3A_31 = tpu.memref_squeeze %dma_start3A_30 : memref<1x10176xi32, #tpu.memory_space<hbm>> -> memref<10176xi32, #tpu.memory_space<hbm>>
      %dma_start3A_32 = arith.constant 0 : i32
      %dma_start3A_33 = tpu.memref_slice %arg4[%add3A, %dma_start3A_32] : memref<32x10176xi32, #tpu.memory_space<hbm>> -> memref<1x10176xi32, #tpu.memory_space<hbm>>
      %dma_start3A_34 = tpu.memref_squeeze %dma_start3A_33 : memref<1x10176xi32, #tpu.memory_space<hbm>> -> memref<10176xi32, #tpu.memory_space<hbm>>
      tpu.enqueue_dma source(%dma_start3A_34 : memref<10176xi32, #tpu.memory_space<hbm>>) target(%arg8 : memref<10176xi32, #tpu.memory_space<vmem>>) target_semaphore(%run_scoped3A : memref<!tpu.dma_semaphore, #tpu.memory_space<semaphore_mem>>)
      %dma_wait3A = arith.constant 0 : i32
      %dma_wait3A_35 = tpu.memref_slice %arg4[%add3A, %dma_wait3A] : memref<32x10176xi32, #tpu.memory_space<hbm>> -> memref<1x10176xi32, #tpu.memory_space<hbm>>
      %dma_wait3A_36 = tpu.memref_squeeze %dma_wait3A_35 : memref<1x10176xi32, #tpu.memory_space<hbm>> -> memref<10176xi32, #tpu.memory_space<hbm>>
      %dma_wait3A_37 = arith.constant 0 : i32
      %dma_wait3A_38 = tpu.memref_slice %arg4[%add3A, %dma_wait3A_37] : memref<32x10176xi32, #tpu.memory_space<hbm>> -> memref<1x10176xi32, #tpu.memory_space<hbm>>
      %dma_wait3A_39 = tpu.memref_squeeze %dma_wait3A_38 : memref<1x10176xi32, #tpu.memory_space<hbm>> -> memref<10176xi32, #tpu.memory_space<hbm>>
      tpu.wait_dma2 semaphore(%run_scoped3A : memref<!tpu.dma_semaphore, #tpu.memory_space<semaphore_mem>>) src(%dma_wait3A_39 : memref<10176xi32, #tpu.memory_space<hbm>>) dst(%arg8 : memref<10176xi32, #tpu.memory_space<vmem>>)
      tpu.yield
    }) : () -> ()
    %barrier3A = arith.constant 0 : index
    tpu.barrier barrier_id(%barrier3A)
    %dma_start3A = arith.constant 0 : i32
    %dma_start3A_10 = tpu.memref_slice %arg8[%dma_start3A] : memref<10176xi32, #tpu.memory_space<vmem>> -> memref<96xi32, #tpu.memory_space<vmem>>
    %dma_start3A_11 = arith.constant 0 : i32
    %dma_start3A_12 = arith.constant 0 : i32
    %dma_start3A_13 = tpu.memref_slice %arg2[%dma_start3A_11, %dma_start3A_12] : memref<10000x128xf32, #tpu.memory_space<hbm>> -> memref<10000x128xf32, #tpu.memory_space<hbm>>
    tpu.enqueue_indirect_dma source(%dma_start3A_13 : memref<10000x128xf32, #tpu.memory_space<hbm>>) target(%arg9 : memref<96x128xf32, #tpu.memory_space<vmem>>) offsets(%dma_start3A_10 : memref<96xi32, #tpu.memory_space<vmem>>) semaphore(%arg11 : memref<!tpu.dma_semaphore, #tpu.memory_space<semaphore_mem>>)
    %dma_start3A_14 = arith.constant 96 : i32
    %dma_start3A_15 = tpu.memref_slice %arg8[%dma_start3A_14] : memref<10176xi32, #tpu.memory_space<vmem>> -> memref<96xi32, #tpu.memory_space<vmem>>
    %dma_start3A_16 = arith.constant 0 : i32
    %dma_start3A_17 = arith.constant 0 : i32
    %dma_start3A_18 = tpu.memref_slice %arg2[%dma_start3A_16, %dma_start3A_17] : memref<10000x128xf32, #tpu.memory_space<hbm>> -> memref<10000x128xf32, #tpu.memory_space<hbm>>
    tpu.enqueue_indirect_dma source(%dma_start3A_18 : memref<10000x128xf32, #tpu.memory_space<hbm>>) target(%arg10 : memref<96x128xf32, #tpu.memory_space<vmem>>) offsets(%dma_start3A_15 : memref<96xi32, #tpu.memory_space<vmem>>) semaphore(%arg12 : memref<!tpu.dma_semaphore, #tpu.memory_space<semaphore_mem>>)
    %scan3A_19 = arith.constant 0 : i32
    %scan3A_20 = arith.constant 53 : i32
    %scan3A_21 = arith.addi %scan3A_19, %scan3A_20 : i32
    %scan3A_22 = arith.constant 1 : i32
    scf.for %scan3A_29 = %scan3A_19 to %scan3A_21 step %scan3A_22  : i32 {
      %mul3A_30 = arith.constant 2 : i32
      %mul3A_31 = arith.muli %scan3A_29, %mul3A_30 : i32
      %add3A_32 = arith.constant 0 : i32
      %add3A_33 = arith.addi %add3A_32, %mul3A_31 : i32
      %add3A_34 = arith.constant 0 : i32
      %add3A_35 = arith.addi %add3A_33, %add3A_34 : i32
      %mul3A_36 = arith.constant 96 : i32
      %mul3A_37 = arith.muli %add3A_35, %mul3A_36 : i32
      %dma_wait3A = tpu.memref_slice %arg8[%mul3A_37] : memref<10176xi32, #tpu.memory_space<vmem>> -> memref<96xi32, #tpu.memory_space<vmem>>
      %dma_wait3A_38 = arith.constant 0 : i32
      %dma_wait3A_39 = arith.constant 0 : i32
      %dma_wait3A_40 = tpu.memref_slice %arg2[%dma_wait3A_38, %dma_wait3A_39] : memref<10000x128xf32, #tpu.memory_space<hbm>> -> memref<10000x128xf32, #tpu.memory_space<hbm>>
      tpu.wait_indirect_dma semaphore(%arg11 : memref<!tpu.dma_semaphore, #tpu.memory_space<semaphore_mem>>) src(%dma_wait3A_40 : memref<10000x128xf32, #tpu.memory_space<hbm>>) dst(%arg9 : memref<96x128xf32, #tpu.memory_space<vmem>>)
      "tpu.region"() ({
        %run_scoped3A = tpu.sem_alloc : memref<!tpu.dma_semaphore, #tpu.memory_space<semaphore_mem>>
        %dma_start3A_60 = arith.constant 0 : i32
        %dma_start3A_61 = tpu.memref_slice %arg7[%add3A_35, %dma_start3A_60] : memref<106x96xi32, #tpu.memory_space<vmem>> -> memref<1x96xi32, #tpu.memory_space<vmem>>
        %dma_start3A_62 = tpu.memref_squeeze %dma_start3A_61 : memref<1x96xi32, #tpu.memory_space<vmem>> -> memref<96xi32, #tpu.memory_space<vmem>>
        %dma_start3A_63 = arith.constant 0 : i32
        %dma_start3A_64 = arith.constant 0 : i32
        %dma_start3A_65 = tpu.memref_slice %arg6[%dma_start3A_63, %dma_start3A_64] : memref<10240x128xf32, #tpu.memory_space<vmem_shared>> -> memref<10240x128xf32, #tpu.memory_space<vmem_shared>>
        tpu.enqueue_indirect_dma source(%arg9 : memref<96x128xf32, #tpu.memory_space<vmem>>) target(%dma_start3A_65 : memref<10240x128xf32, #tpu.memory_space<vmem_shared>>) offsets(%dma_start3A_62 : memref<96xi32, #tpu.memory_space<vmem>>) semaphore(%run_scoped3A : memref<!tpu.dma_semaphore, #tpu.memory_space<semaphore_mem>>) {add = true}
        %dma_wait3A_66 = arith.constant 0 : i32
        %dma_wait3A_67 = tpu.memref_slice %arg7[%add3A_35, %dma_wait3A_66] : memref<106x96xi32, #tpu.memory_space<vmem>> -> memref<1x96xi32, #tpu.memory_space<vmem>>
        %dma_wait3A_68 = tpu.memref_squeeze %dma_wait3A_67 : memref<1x96xi32, #tpu.memory_space<vmem>> -> memref<96xi32, #tpu.memory_space<vmem>>
        %dma_wait3A_69 = arith.constant 0 : i32
        %dma_wait3A_70 = arith.constant 0 : i32
        %dma_wait3A_71 = tpu.memref_slice %arg6[%dma_wait3A_69, %dma_wait3A_70] : memref<10240x128xf32, #tpu.memory_space<vmem_shared>> -> memref<10240x128xf32, #tpu.memory_space<vmem_shared>>
        tpu.wait_indirect_dma semaphore(%run_scoped3A : memref<!tpu.dma_semaphore, #tpu.memory_space<semaphore_mem>>) src(%arg9 : memref<96x128xf32, #tpu.memory_space<vmem>>) dst(%dma_wait3A_71 : memref<10240x128xf32, #tpu.memory_space<vmem_shared>>)
        tpu.yield
      }) : () -> ()
      %add3A_41 = arith.constant 2 : i32
      %add3A_42 = arith.addi %add3A_35, %add3A_41 : i32
      %lt3A = arith.constant 106 : i32
      %lt3A_43 = arith.cmpi slt, %add3A_42, %lt3A : i32
      %convert_element_type3A = arith.extui %lt3A_43 : i1 to i32
      %cond3A = arith.constant 0 : i32
      %cond3A_44 = arith.cmpi ne, %convert_element_type3A, %cond3A : i32
      scf.if %cond3A_44 {
        %add3A_60 = arith.constant 2 : i32
        %add3A_61 = arith.addi %add3A_35, %add3A_60 : i32
        %mul3A_62 = arith.constant 96 : i32
        %mul3A_63 = arith.muli %add3A_61, %mul3A_62 : i32
        %dma_start3A_64 = tpu.memref_slice %arg8[%mul3A_63] : memref<10176xi32, #tpu.memory_space<vmem>> -> memref<96xi32, #tpu.memory_space<vmem>>
        %dma_start3A_65 = arith.constant 0 : i32
        %dma_start3A_66 = arith.constant 0 : i32
        %dma_start3A_67 = tpu.memref_slice %arg2[%dma_start3A_65, %dma_start3A_66] : memref<10000x128xf32, #tpu.memory_space<hbm>> -> memref<10000x128xf32, #tpu.memory_space<hbm>>
        tpu.enqueue_indirect_dma source(%dma_start3A_67 : memref<10000x128xf32, #tpu.memory_space<hbm>>) target(%arg9 : memref<96x128xf32, #tpu.memory_space<vmem>>) offsets(%dma_start3A_64 : memref<96xi32, #tpu.memory_space<vmem>>) semaphore(%arg11 : memref<!tpu.dma_semaphore, #tpu.memory_space<semaphore_mem>>)
      } else {
      }
      %add3A_45 = arith.constant 1 : i32
      %add3A_46 = arith.addi %add3A_33, %add3A_45 : i32
      %mul3A_47 = arith.constant 96 : i32
      %mul3A_48 = arith.muli %add3A_46, %mul3A_47 : i32
      %dma_wait3A_49 = tpu.memref_slice %arg8[%mul3A_48] : memref<10176xi32, #tpu.memory_space<vmem>> -> memref<96xi32, #tpu.memory_space<vmem>>
      %dma_wait3A_50 = arith.constant 0 : i32
      %dma_wait3A_51 = arith.constant 0 : i32
      %dma_wait3A_52 = tpu.memref_slice %arg2[%dma_wait3A_50, %dma_wait3A_51] : memref<10000x128xf32, #tpu.memory_space<hbm>> -> memref<10000x128xf32, #tpu.memory_space<hbm>>
      tpu.wait_indirect_dma semaphore(%arg12 : memref<!tpu.dma_semaphore, #tpu.memory_space<semaphore_mem>>) src(%dma_wait3A_52 : memref<10000x128xf32, #tpu.memory_space<hbm>>) dst(%arg10 : memref<96x128xf32, #tpu.memory_space<vmem>>)
      "tpu.region"() ({
        %run_scoped3A = tpu.sem_alloc : memref<!tpu.dma_semaphore, #tpu.memory_space<semaphore_mem>>
        %dma_start3A_60 = arith.constant 0 : i32
        %dma_start3A_61 = tpu.memref_slice %arg7[%add3A_46, %dma_start3A_60] : memref<106x96xi32, #tpu.memory_space<vmem>> -> memref<1x96xi32, #tpu.memory_space<vmem>>
        %dma_start3A_62 = tpu.memref_squeeze %dma_start3A_61 : memref<1x96xi32, #tpu.memory_space<vmem>> -> memref<96xi32, #tpu.memory_space<vmem>>
        %dma_start3A_63 = arith.constant 0 : i32
        %dma_start3A_64 = arith.constant 0 : i32
        %dma_start3A_65 = tpu.memref_slice %arg6[%dma_start3A_63, %dma_start3A_64] : memref<10240x128xf32, #tpu.memory_space<vmem_shared>> -> memref<10240x128xf32, #tpu.memory_space<vmem_shared>>
        tpu.enqueue_indirect_dma source(%arg10 : memref<96x128xf32, #tpu.memory_space<vmem>>) target(%dma_start3A_65 : memref<10240x128xf32, #tpu.memory_space<vmem_shared>>) offsets(%dma_start3A_62 : memref<96xi32, #tpu.memory_space<vmem>>) semaphore(%run_scoped3A : memref<!tpu.dma_semaphore, #tpu.memory_space<semaphore_mem>>) {add = true}
        %dma_wait3A_66 = arith.constant 0 : i32
        %dma_wait3A_67 = tpu.memref_slice %arg7[%add3A_46, %dma_wait3A_66] : memref<106x96xi32, #tpu.memory_space<vmem>> -> memref<1x96xi32, #tpu.memory_space<vmem>>
        %dma_wait3A_68 = tpu.memref_squeeze %dma_wait3A_67 : memref<1x96xi32, #tpu.memory_space<vmem>> -> memref<96xi32, #tpu.memory_space<vmem>>
        %dma_wait3A_69 = arith.constant 0 : i32
        %dma_wait3A_70 = arith.constant 0 : i32
        %dma_wait3A_71 = tpu.memref_slice %arg6[%dma_wait3A_69, %dma_wait3A_70] : memref<10240x128xf32, #tpu.memory_space<vmem_shared>> -> memref<10240x128xf32, #tpu.memory_space<vmem_shared>>
        tpu.wait_indirect_dma semaphore(%run_scoped3A : memref<!tpu.dma_semaphore, #tpu.memory_space<semaphore_mem>>) src(%arg10 : memref<96x128xf32, #tpu.memory_space<vmem>>) dst(%dma_wait3A_71 : memref<10240x128xf32, #tpu.memory_space<vmem_shared>>)
        tpu.yield
      }) : () -> ()
      %add3A_53 = arith.constant 2 : i32
      %add3A_54 = arith.addi %add3A_46, %add3A_53 : i32
      %lt3A_55 = arith.constant 106 : i32
      %lt3A_56 = arith.cmpi slt, %add3A_54, %lt3A_55 : i32
      %convert_element_type3A_57 = arith.extui %lt3A_56 : i1 to i32
      %cond3A_58 = arith.constant 0 : i32
      %cond3A_59 = arith.cmpi ne, %convert_element_type3A_57, %cond3A_58 : i32
      scf.if %cond3A_59 {
        %add3A_60 = arith.constant 2 : i32
        %add3A_61 = arith.addi %add3A_46, %add3A_60 : i32
        %mul3A_62 = arith.constant 96 : i32
        %mul3A_63 = arith.muli %add3A_61, %mul3A_62 : i32
        %dma_start3A_64 = tpu.memref_slice %arg8[%mul3A_63] : memref<10176xi32, #tpu.memory_space<vmem>> -> memref<96xi32, #tpu.memory_space<vmem>>
        %dma_start3A_65 = arith.constant 0 : i32
        %dma_start3A_66 = arith.constant 0 : i32
        %dma_start3A_67 = tpu.memref_slice %arg2[%dma_start3A_65, %dma_start3A_66] : memref<10000x128xf32, #tpu.memory_space<hbm>> -> memref<10000x128xf32, #tpu.memory_space<hbm>>
        tpu.enqueue_indirect_dma source(%dma_start3A_67 : memref<10000x128xf32, #tpu.memory_space<hbm>>) target(%arg10 : memref<96x128xf32, #tpu.memory_space<vmem>>) offsets(%dma_start3A_64 : memref<96xi32, #tpu.memory_space<vmem>>) semaphore(%arg12 : memref<!tpu.dma_semaphore, #tpu.memory_space<semaphore_mem>>)
      } else {
      }
    }
    %scan3A_23 = arith.constant 53 : i32
    %barrier3A_24 = arith.constant 0 : index
    tpu.barrier barrier_id(%barrier3A_24)
    %mul3A_25 = arith.constant 640 : i32
    %mul3A_26 = arith.muli %arg1, %mul3A_25 : i32
    %mul3A_27 = arith.constant 640 : i32
    %mul3A_28 = arith.muli %arg1, %mul3A_27 : i32
    "tpu.region"() ({
      %run_scoped3A = tpu.sem_alloc : memref<!tpu.dma_semaphore, #tpu.memory_space<semaphore_mem>>
      %dma_start3A_29 = arith.constant 0 : i32
      %dma_start3A_30 = arith.constant 0 : i32
      %dma_start3A_31 = tpu.memref_slice %arg5[%arg0, %dma_start3A_29, %dma_start3A_30] : memref<2x10240x128xf32, #tpu.memory_space<hbm>> -> memref<1x10240x128xf32, #tpu.memory_space<hbm>>
      %dma_start3A_32 = tpu.memref_squeeze %dma_start3A_31 : memref<1x10240x128xf32, #tpu.memory_space<hbm>> -> memref<10240x128xf32, #tpu.memory_space<hbm>>
      %dma_start3A_33 = arith.constant 0 : i32
      %dma_start3A_34 = tpu.memref_slice %dma_start3A_32[%mul3A_28, %dma_start3A_33] : memref<10240x128xf32, #tpu.memory_space<hbm>> -> memref<640x128xf32, #tpu.memory_space<hbm>>
      %dma_start3A_35 = arith.constant 0 : i32
      %dma_start3A_36 = tpu.memref_slice %arg6[%mul3A_26, %dma_start3A_35] : memref<10240x128xf32, #tpu.memory_space<vmem_shared>> -> memref<640x128xf32, #tpu.memory_space<vmem_shared>>
      tpu.enqueue_dma source(%dma_start3A_36 : memref<640x128xf32, #tpu.memory_space<vmem_shared>>) target(%dma_start3A_34 : memref<640x128xf32, #tpu.memory_space<hbm>>) target_semaphore(%run_scoped3A : memref<!tpu.dma_semaphore, #tpu.memory_space<semaphore_mem>>)
      %dma_wait3A = arith.constant 0 : i32
      %dma_wait3A_37 = arith.constant 0 : i32
      %dma_wait3A_38 = tpu.memref_slice %arg5[%arg0, %dma_wait3A, %dma_wait3A_37] : memref<2x10240x128xf32, #tpu.memory_space<hbm>> -> memref<1x10240x128xf32, #tpu.memory_space<hbm>>
      %dma_wait3A_39 = tpu.memref_squeeze %dma_wait3A_38 : memref<1x10240x128xf32, #tpu.memory_space<hbm>> -> memref<10240x128xf32, #tpu.memory_space<hbm>>
      %dma_wait3A_40 = arith.constant 0 : i32
      %dma_wait3A_41 = tpu.memref_slice %dma_wait3A_39[%mul3A_28, %dma_wait3A_40] : memref<10240x128xf32, #tpu.memory_space<hbm>> -> memref<640x128xf32, #tpu.memory_space<hbm>>
      %dma_wait3A_42 = arith.constant 0 : i32
      %dma_wait3A_43 = tpu.memref_slice %arg6[%mul3A_26, %dma_wait3A_42] : memref<10240x128xf32, #tpu.memory_space<vmem_shared>> -> memref<640x128xf32, #tpu.memory_space<vmem_shared>>
      tpu.wait_dma2 semaphore(%run_scoped3A : memref<!tpu.dma_semaphore, #tpu.memory_space<semaphore_mem>>) src(%dma_wait3A_43 : memref<640x128xf32, #tpu.memory_space<vmem_shared>>) dst(%dma_wait3A_41 : memref<640x128xf32, #tpu.memory_space<hbm>>)
      tpu.yield
    }) : () -> ()
    return
  }
}

module attributes {stable_mosaic.version = 14 : i64} {
  func.func @body(%arg0: i32, %arg1: memref<1000x128xf32, #tpu.memory_space<vmem>>, %arg2: memref<128x128xf32, #tpu.memory_space<vmem>>, %arg3: memref<1x32x1000xf32, #tpu.memory_space<vmem>>, %arg4: memref<1000x128xf32, #tpu.memory_space<vmem>>) attributes {dimension_semantics = [#tpu.dimension_semantics<arbitrary>], iteration_bounds = array<i64: 10>, scalar_prefetch = 0 : i64, scratch_operands = 0 : i64, tpu.core_type = #tpu.core_type<tc>, window_params = [{transform_indices = @transform_0, window_bounds = array<i64: 1000, 128>}, {pipeline_mode = #tpu.pipeline_mode<synchronous>, transform_indices = @transform_1, window_bounds = array<i64: 128, 128>}, {transform_indices = @transform_2, window_bounds = array<i64: 1, 32, 1000>}, {transform_indices = @transform_3, window_bounds = array<i64: 1000, 128>}]} {
    %get3A = arith.constant 0 : index
    %get3A_0 = arith.constant 0 : index
    %get3A_1 = arith.constant 0 : index
    %get3A_2 = vector.load %arg3[%get3A, %get3A_0, %get3A_1] : memref<1x32x1000xf32, #tpu.memory_space<vmem>>, vector<1x32x1000xf32>
    %get3A_3 = vector.shape_cast %get3A_2 : vector<1x32x1000xf32> to vector<32x1000xf32>
    %reduce_sum3A = arith.constant dense<0.000000e+00> : vector<1000xf32>
    %reduce_sum3A_4 = vector.multi_reduction <add>, %get3A_3, %reduce_sum3A [0] : vector<32x1000xf32> to vector<1000xf32>
    %gt3A = arith.constant 0.000000e+00 : f32
    %gt3A_5 = vector.broadcast %gt3A : f32 to vector<1000xf32>
    %gt3A_6 = arith.cmpf ogt, %reduce_sum3A_4, %gt3A_5 : vector<1000xf32>
    %rsqrt3A = math.rsqrt %reduce_sum3A_4 : vector<1000xf32>
    %jit3A = arith.constant 0.000000e+00 : f32
    %broadcast_in_dim3A = vector.broadcast %jit3A : f32 to vector<1000xf32>
    %select_n3A = arith.select %gt3A_6, %rsqrt3A, %broadcast_in_dim3A : vector<1000xi1>, vector<1000xf32>
    %get3A_7 = arith.constant 0 : index
    %get3A_8 = arith.constant 0 : index
    %get3A_9 = vector.load %arg1[%get3A_7, %get3A_8] : memref<1000x128xf32, #tpu.memory_space<vmem>>, vector<1000x128xf32>
    %get3A_10 = arith.constant 0 : index
    %get3A_11 = arith.constant 0 : index
    %get3A_12 = vector.load %arg2[%get3A_10, %get3A_11] : memref<128x128xf32, #tpu.memory_space<vmem>>, vector<128x128xf32>
    %dot_general3A = arith.constant dense<0.000000e+00> : vector<1000x128xf32>
    %dot_general3A_13 = tpu.matmul %get3A_9, %get3A_12, %dot_general3A {dimension_numbers = #tpu.dot_dimension_numbers<[1], [0], [0], [1], [0, 0, 1, 1], [], []>, transpose_lhs_hint = false} : vector<1000x128xf32>, vector<128x128xf32>, vector<1000x128xf32> -> vector<1000x128xf32>
    %broadcast_in_dim3A_14 = vector.shape_cast %select_n3A : vector<1000xf32> to vector<1000x1xf32>
    %mul3A = vector.broadcast %broadcast_in_dim3A_14 : vector<1000x1xf32> to vector<1000x128xf32>
    %mul3A_15 = arith.mulf %dot_general3A_13, %mul3A : vector<1000x128xf32>
    %swap3A = arith.constant 0 : index
    %swap3A_16 = arith.constant 0 : index
    %swap3A_17 = vector.load %arg4[%swap3A, %swap3A_16] : memref<1000x128xf32, #tpu.memory_space<vmem>>, vector<1000x128xf32>
    tpu.vector_store %arg4[%swap3A, %swap3A_16], %mul3A_15 {strides = array<i32>} : memref<1000x128xf32, #tpu.memory_space<vmem>>, vector<1000x128xf32>,
    return
  }
  func.func @transform_0(%arg0: i32) -> (i32, i32) {
    %c0_i32 = arith.constant 0 : i32
    %c0_i32_0 = arith.constant 0 : i32
    return %arg0, %c0_i32 : i32, i32
  }
  func.func @transform_1(%arg0: i32) -> (i32, i32) {
    %c0_i32 = arith.constant 0 : i32
    %c0_i32_0 = arith.constant 0 : i32
    %c0_i32_1 = arith.constant 0 : i32
    return %c0_i32, %c0_i32_0 : i32, i32
  }
  func.func @transform_2(%arg0: i32) -> (i32, i32, i32) {
    %c0_i32 = arith.constant 0 : i32
    %c0_i32_0 = arith.constant 0 : i32
    %c0_i32_1 = arith.constant 0 : i32
    return %arg0, %c0_i32, %c0_i32_0 : i32, i32, i32
  }
  func.func @transform_3(%arg0: i32) -> (i32, i32) {
    %c0_i32 = arith.constant 0 : i32
    %c0_i32_0 = arith.constant 0 : i32
    return %arg0, %c0_i32 : i32, i32
  }
}

module attributes {stable_mosaic.version = 14 : i64} {
  func.func @body(%arg0: i32, %arg1: memref<2x1000x128xf32, #tpu.memory_space<vmem>>, %arg2: memref<1x32x1000xf32, #tpu.memory_space<vmem>>, %arg3: memref<1x128xf32, #tpu.memory_space<vmem>>, %arg4: memref<128x128xf32, #tpu.memory_space<vmem>>, %arg5: memref<1000x128xf32, #tpu.memory_space<vmem>>) attributes {dimension_semantics = [#tpu.dimension_semantics<arbitrary>], iteration_bounds = array<i64: 10>, scalar_prefetch = 0 : i64, scratch_operands = 0 : i64, tpu.core_type = #tpu.core_type<tc>, window_params = [{transform_indices = @transform_0, window_bounds = array<i64: 2, 1000, 128>}, {transform_indices = @transform_1, window_bounds = array<i64: 1, 32, 1000>}, {pipeline_mode = #tpu.pipeline_mode<synchronous>, transform_indices = @transform_2, window_bounds = array<i64: 1, 128>}, {pipeline_mode = #tpu.pipeline_mode<synchronous>, transform_indices = @transform_3, window_bounds = array<i64: 128, 128>}, {transform_indices = @transform_4, window_bounds = array<i64: 1000, 128>}]} {
    %get3A = arith.constant 0 : index
    %get3A_0 = arith.constant 0 : index
    %get3A_1 = arith.constant 0 : index
    %get3A_2 = vector.load %arg2[%get3A, %get3A_0, %get3A_1] : memref<1x32x1000xf32, #tpu.memory_space<vmem>>, vector<1x32x1000xf32>
    %get3A_3 = vector.shape_cast %get3A_2 : vector<1x32x1000xf32> to vector<32x1000xf32>
    %reduce_sum3A = arith.constant dense<0.000000e+00> : vector<1000xf32>
    %reduce_sum3A_4 = vector.multi_reduction <add>, %get3A_3, %reduce_sum3A [0] : vector<32x1000xf32> to vector<1000xf32>
    %gt3A = arith.constant 0.000000e+00 : f32
    %gt3A_5 = vector.broadcast %gt3A : f32 to vector<1000xf32>
    %gt3A_6 = arith.cmpf ogt, %reduce_sum3A_4, %gt3A_5 : vector<1000xf32>
    %rsqrt3A = math.rsqrt %reduce_sum3A_4 : vector<1000xf32>
    %jit3A = arith.constant 0.000000e+00 : f32
    %broadcast_in_dim3A = vector.broadcast %jit3A : f32 to vector<1000xf32>
    %select_n3A = arith.select %gt3A_6, %rsqrt3A, %broadcast_in_dim3A : vector<1000xi1>, vector<1000xf32>
    %get3A_7 = arith.constant 0 : index
    %get3A_8 = arith.constant 0 : index
    %get3A_9 = arith.constant 0 : index
    %get3A_10 = vector.load %arg1[%get3A_7, %get3A_8, %get3A_9] : memref<2x1000x128xf32, #tpu.memory_space<vmem>>, vector<1x1000x128xf32>
    %get3A_11 = vector.shape_cast %get3A_10 : vector<1x1000x128xf32> to vector<1000x128xf32>
    %get3A_12 = arith.constant 1 : index
    %get3A_13 = arith.constant 0 : index
    %get3A_14 = arith.constant 0 : index
    %get3A_15 = vector.load %arg1[%get3A_12, %get3A_13, %get3A_14] : memref<2x1000x128xf32, #tpu.memory_space<vmem>>, vector<1x1000x128xf32>
    %get3A_16 = vector.shape_cast %get3A_15 : vector<1x1000x128xf32> to vector<1000x128xf32>
    %add3A = arith.addf %get3A_11, %get3A_16 : vector<1000x128xf32>
    %broadcast_in_dim3A_17 = vector.shape_cast %select_n3A : vector<1000xf32> to vector<1000x1xf32>
    %mul3A = vector.broadcast %broadcast_in_dim3A_17 : vector<1000x1xf32> to vector<1000x128xf32>
    %mul3A_18 = arith.mulf %add3A, %mul3A : vector<1000x128xf32>
    %get3A_19 = arith.constant 0 : index
    %get3A_20 = arith.constant 0 : index
    %get3A_21 = vector.load %arg3[%get3A_19, %get3A_20] : memref<1x128xf32, #tpu.memory_space<vmem>>, vector<1x128xf32>
    %add3A_22 = vector.broadcast %get3A_21 : vector<1x128xf32> to vector<1000x128xf32>
    %add3A_23 = arith.addf %mul3A_18, %add3A_22 : vector<1000x128xf32>
    %max3A = arith.constant 0.000000e+00 : f32
    %max3A_24 = vector.broadcast %max3A : f32 to vector<1000x128xf32>
    %max3A_25 = arith.maximumf %add3A_23, %max3A_24 : vector<1000x128xf32>
    %get3A_26 = arith.constant 0 : index
    %get3A_27 = arith.constant 0 : index
    %get3A_28 = vector.load %arg4[%get3A_26, %get3A_27] : memref<128x128xf32, #tpu.memory_space<vmem>>, vector<128x128xf32>
    %dot_general3A = arith.constant dense<0.000000e+00> : vector<1000x128xf32>
    %dot_general3A_29 = tpu.matmul %max3A_25, %get3A_28, %dot_general3A {dimension_numbers = #tpu.dot_dimension_numbers<[1], [0], [0], [1], [0, 0, 1, 1], [], []>, transpose_lhs_hint = false} : vector<1000x128xf32>, vector<128x128xf32>, vector<1000x128xf32> -> vector<1000x128xf32>
    %broadcast_in_dim3A_30 = vector.shape_cast %select_n3A : vector<1000xf32> to vector<1000x1xf32>
    %mul3A_31 = vector.broadcast %broadcast_in_dim3A_30 : vector<1000x1xf32> to vector<1000x128xf32>
    %mul3A_32 = arith.mulf %dot_general3A_29, %mul3A_31 : vector<1000x128xf32>
    %swap3A = arith.constant 0 : index
    %swap3A_33 = arith.constant 0 : index
    %swap3A_34 = vector.load %arg5[%swap3A, %swap3A_33] : memref<1000x128xf32, #tpu.memory_space<vmem>>, vector<1000x128xf32>
    tpu.vector_store %arg5[%swap3A, %swap3A_33], %mul3A_32 {strides = array<i32>} : memref<1000x128xf32, #tpu.memory_space<vmem>>, vector<1000x128xf32>,
    return
  }
  func.func @transform_0(%arg0: i32) -> (i32, i32, i32) {
    %c0_i32 = arith.constant 0 : i32
    %c0_i32_0 = arith.constant 0 : i32
    %c0_i32_1 = arith.constant 0 : i32
    return %c0_i32, %arg0, %c0_i32_0 : i32, i32, i32
  }
  func.func @transform_1(%arg0: i32) -> (i32, i32, i32) {
    %c0_i32 = arith.constant 0 : i32
    %c0_i32_0 = arith.constant 0 : i32
    %c0_i32_1 = arith.constant 0 : i32
    return %arg0, %c0_i32, %c0_i32_0 : i32, i32, i32
  }
  func.func @transform_2(%arg0: i32) -> (i32, i32) {
    %c0_i32 = arith.constant 0 : i32
    %c0_i32_0 = arith.constant 0 : i32
    %c0_i32_1 = arith.constant 0 : i32
    return %c0_i32, %c0_i32_0 : i32, i32
  }
  func.func @transform_3(%arg0: i32) -> (i32, i32) {
    %c0_i32 = arith.constant 0 : i32
    %c0_i32_0 = arith.constant 0 : i32
    %c0_i32_1 = arith.constant 0 : i32
    return %c0_i32, %c0_i32_0 : i32, i32
  }
  func.func @transform_4(%arg0: i32) -> (i32, i32) {
    %c0_i32 = arith.constant 0 : i32
    %c0_i32_0 = arith.constant 0 : i32
    return %arg0, %c0_i32 : i32, i32
  }
}

module attributes {stable_mosaic.version = 14 : i64} {
  func.func @body(%arg0: i32, %arg1: memref<2x1000x128xf32, #tpu.memory_space<vmem>>, %arg2: memref<1x32x1000xf32, #tpu.memory_space<vmem>>, %arg3: memref<1x128xf32, #tpu.memory_space<vmem>>, %arg4: memref<1x1x1000xi32, #tpu.memory_space<vmem>>, %arg5: memref<128x2xf32, #tpu.memory_space<vmem>>, %arg6: memref<1x2xf32, #tpu.memory_space<vmem>>, %arg7: memref<64x2xf32, #tpu.memory_space<vmem>>, %arg8: memref<64x128xf32, #tpu.memory_space<vmem>>) attributes {dimension_semantics = [#tpu.dimension_semantics<arbitrary>], iteration_bounds = array<i64: 10>, scalar_prefetch = 0 : i64, scratch_operands = 1 : i64, tpu.core_type = #tpu.core_type<tc>, window_params = [{transform_indices = @transform_0, window_bounds = array<i64: 2, 1000, 128>}, {transform_indices = @transform_1, window_bounds = array<i64: 1, 32, 1000>}, {pipeline_mode = #tpu.pipeline_mode<synchronous>, transform_indices = @transform_2, window_bounds = array<i64: 1, 128>}, {transform_indices = @transform_3, window_bounds = array<i64: 1, 1, 1000>}, {pipeline_mode = #tpu.pipeline_mode<synchronous>, transform_indices = @transform_4, window_bounds = array<i64: 128, 2>}, {pipeline_mode = #tpu.pipeline_mode<synchronous>, transform_indices = @transform_5, window_bounds = array<i64: 1, 2>}, {pipeline_mode = #tpu.pipeline_mode<synchronous>, transform_indices = @transform_6, window_bounds = array<i64: 64, 2>}]} {
    %eq3A = arith.constant 0 : i32
    %eq3A_0 = arith.cmpi eq, %arg0, %eq3A : i32
    %convert_element_type3A = arith.extui %eq3A_0 : i1 to i32
    %cond3A = arith.constant 0 : i32
    %cond3A_1 = arith.cmpi ne, %convert_element_type3A, %cond3A : i32
    scf.if %cond3A_1 {
      %broadcast_in_dim3A_50 = arith.constant 0.000000e+00 : f32
      %broadcast_in_dim3A_51 = vector.broadcast %broadcast_in_dim3A_50 : f32 to vector<64x128xf32>
      %swap3A_52 = arith.constant 0 : index
      %swap3A_53 = arith.constant 0 : index
      %swap3A_54 = vector.load %arg8[%swap3A_52, %swap3A_53] : memref<64x128xf32, #tpu.memory_space<vmem>>, vector<64x128xf32>
      tpu.vector_store %arg8[%swap3A_52, %swap3A_53], %broadcast_in_dim3A_51 {strides = array<i32>} : memref<64x128xf32, #tpu.memory_space<vmem>>, vector<64x128xf32>,
    } else {
    }
    %get3A = arith.constant 0 : index
    %get3A_2 = arith.constant 0 : index
    %get3A_3 = arith.constant 0 : index
    %get3A_4 = vector.load %arg2[%get3A, %get3A_2, %get3A_3] : memref<1x32x1000xf32, #tpu.memory_space<vmem>>, vector<1x32x1000xf32>
    %get3A_5 = vector.shape_cast %get3A_4 : vector<1x32x1000xf32> to vector<32x1000xf32>
    %reduce_sum3A = arith.constant dense<0.000000e+00> : vector<1000xf32>
    %reduce_sum3A_6 = vector.multi_reduction <add>, %get3A_5, %reduce_sum3A [0] : vector<32x1000xf32> to vector<1000xf32>
    %gt3A = arith.constant 0.000000e+00 : f32
    %gt3A_7 = vector.broadcast %gt3A : f32 to vector<1000xf32>
    %gt3A_8 = arith.cmpf ogt, %reduce_sum3A_6, %gt3A_7 : vector<1000xf32>
    %rsqrt3A = math.rsqrt %reduce_sum3A_6 : vector<1000xf32>
    %jit3A = arith.constant 0.000000e+00 : f32
    %broadcast_in_dim3A = vector.broadcast %jit3A : f32 to vector<1000xf32>
    %select_n3A = arith.select %gt3A_8, %rsqrt3A, %broadcast_in_dim3A : vector<1000xi1>, vector<1000xf32>
    %get3A_9 = arith.constant 0 : index
    %get3A_10 = arith.constant 0 : index
    %get3A_11 = arith.constant 0 : index
    %get3A_12 = vector.load %arg1[%get3A_9, %get3A_10, %get3A_11] : memref<2x1000x128xf32, #tpu.memory_space<vmem>>, vector<1x1000x128xf32>
    %get3A_13 = vector.shape_cast %get3A_12 : vector<1x1000x128xf32> to vector<1000x128xf32>
    %get3A_14 = arith.constant 1 : index
    %get3A_15 = arith.constant 0 : index
    %get3A_16 = arith.constant 0 : index
    %get3A_17 = vector.load %arg1[%get3A_14, %get3A_15, %get3A_16] : memref<2x1000x128xf32, #tpu.memory_space<vmem>>, vector<1x1000x128xf32>
    %get3A_18 = vector.shape_cast %get3A_17 : vector<1x1000x128xf32> to vector<1000x128xf32>
    %add3A = arith.addf %get3A_13, %get3A_18 : vector<1000x128xf32>
    %broadcast_in_dim3A_19 = vector.shape_cast %select_n3A : vector<1000xf32> to vector<1000x1xf32>
    %mul3A = vector.broadcast %broadcast_in_dim3A_19 : vector<1000x1xf32> to vector<1000x128xf32>
    %mul3A_20 = arith.mulf %add3A, %mul3A : vector<1000x128xf32>
    %get3A_21 = arith.constant 0 : index
    %get3A_22 = arith.constant 0 : index
    %get3A_23 = vector.load %arg3[%get3A_21, %get3A_22] : memref<1x128xf32, #tpu.memory_space<vmem>>, vector<1x128xf32>
    %add3A_24 = vector.broadcast %get3A_23 : vector<1x128xf32> to vector<1000x128xf32>
    %add3A_25 = arith.addf %mul3A_20, %add3A_24 : vector<1000x128xf32>
    %max3A = arith.constant 0.000000e+00 : f32
    %max3A_26 = vector.broadcast %max3A : f32 to vector<1000x128xf32>
    %max3A_27 = arith.maximumf %add3A_25, %max3A_26 : vector<1000x128xf32>
    %get3A_28 = arith.constant 0 : index
    %get3A_29 = arith.constant 0 : index
    %get3A_30 = arith.constant 0 : index
    %get3A_31 = vector.load %arg4[%get3A_28, %get3A_29, %get3A_30] : memref<1x1x1000xi32, #tpu.memory_space<vmem>>, vector<1x1x1000xi32>
    %get3A_32 = vector.shape_cast %get3A_31 : vector<1x1x1000xi32> to vector<1000xi32>
    %broadcast_in_dim3A_33 = vector.shape_cast %get3A_32 : vector<1000xi32> to vector<1x1000xi32>
    %iota3A = tpu.iota {dimensions = array<i32: 0>} : vector<64x1000xi32>
    %eq3A_34 = vector.broadcast %broadcast_in_dim3A_33 : vector<1x1000xi32> to vector<64x1000xi32>
    %eq3A_35 = arith.cmpi eq, %eq3A_34, %iota3A : vector<64x1000xi32>
    %convert_element_type3A_36 = arith.extui %eq3A_35 : vector<64x1000xi1> to vector<64x1000xi32>
    %convert_element_type3A_37 = arith.sitofp %convert_element_type3A_36 : vector<64x1000xi32> to vector<64x1000xf32>
    %get3A_38 = arith.constant 0 : index
    %get3A_39 = arith.constant 0 : index
    %get3A_40 = vector.load %arg8[%get3A_38, %get3A_39] : memref<64x128xf32, #tpu.memory_space<vmem>>, vector<64x128xf32>
    %dot_general3A = arith.constant dense<0.000000e+00> : vector<64x128xf32>
    %dot_general3A_41 = tpu.matmul %convert_element_type3A_37, %max3A_27, %dot_general3A {dimension_numbers = #tpu.dot_dimension_numbers<[1], [0], [0], [1], [0, 0, 1, 1], [], []>, transpose_lhs_hint = false} : vector<64x1000xf32>, vector<1000x128xf32>, vector<64x128xf32> -> vector<64x128xf32>
    %add3A_42 = arith.addf %get3A_40, %dot_general3A_41 : vector<64x128xf32>
    %swap3A = arith.constant 0 : index
    %swap3A_43 = arith.constant 0 : index
    %swap3A_44 = vector.load %arg8[%swap3A, %swap3A_43] : memref<64x128xf32, #tpu.memory_space<vmem>>, vector<64x128xf32>
    tpu.vector_store %arg8[%swap3A, %swap3A_43], %add3A_42 {strides = array<i32>} : memref<64x128xf32, #tpu.memory_space<vmem>>, vector<64x128xf32>,
    %eq3A_45 = arith.constant 9 : i32
    %eq3A_46 = arith.cmpi eq, %arg0, %eq3A_45 : i32
    %convert_element_type3A_47 = arith.extui %eq3A_46 : i1 to i32
    %cond3A_48 = arith.constant 0 : i32
    %cond3A_49 = arith.cmpi ne, %convert_element_type3A_47, %cond3A_48 : i32
    scf.if %cond3A_49 {
      %get3A_50 = arith.constant 0 : index
      %get3A_51 = arith.constant 0 : index
      %get3A_52 = vector.load %arg8[%get3A_50, %get3A_51] : memref<64x128xf32, #tpu.memory_space<vmem>>, vector<64x128xf32>
      %get3A_53 = arith.constant 0 : index
      %get3A_54 = arith.constant 0 : index
      %get3A_55 = vector.load %arg5[%get3A_53, %get3A_54] : memref<128x2xf32, #tpu.memory_space<vmem>>, vector<128x2xf32>
      %dot_general3A_56 = arith.constant dense<0.000000e+00> : vector<64x2xf32>
      %dot_general3A_57 = tpu.matmul %get3A_52, %get3A_55, %dot_general3A_56 {dimension_numbers = #tpu.dot_dimension_numbers<[1], [0], [0], [1], [0, 0, 1, 1], [], []>, transpose_lhs_hint = false} : vector<64x128xf32>, vector<128x2xf32>, vector<64x2xf32> -> vector<64x2xf32>
      %get3A_58 = arith.constant 0 : index
      %get3A_59 = arith.constant 0 : index
      %get3A_60 = vector.load %arg6[%get3A_58, %get3A_59] : memref<1x2xf32, #tpu.memory_space<vmem>>, vector<1x2xf32>
      %add3A_61 = vector.broadcast %get3A_60 : vector<1x2xf32> to vector<64x2xf32>
      %add3A_62 = arith.addf %dot_general3A_57, %add3A_61 : vector<64x2xf32>
      %swap3A_63 = arith.constant 0 : index
      %swap3A_64 = arith.constant 0 : index
      %swap3A_65 = vector.load %arg7[%swap3A_63, %swap3A_64] : memref<64x2xf32, #tpu.memory_space<vmem>>, vector<64x2xf32>
      tpu.vector_store %arg7[%swap3A_63, %swap3A_64], %add3A_62 {strides = array<i32>} : memref<64x2xf32, #tpu.memory_space<vmem>>, vector<64x2xf32>,
    } else {
    }
    return
  }
  func.func @transform_0(%arg0: i32) -> (i32, i32, i32) {
    %c0_i32 = arith.constant 0 : i32
    %c0_i32_0 = arith.constant 0 : i32
    %c0_i32_1 = arith.constant 0 : i32
    return %c0_i32, %arg0, %c0_i32_0 : i32, i32, i32
  }
  func.func @transform_1(%arg0: i32) -> (i32, i32, i32) {
    %c0_i32 = arith.constant 0 : i32
    %c0_i32_0 = arith.constant 0 : i32
    %c0_i32_1 = arith.constant 0 : i32
    return %arg0, %c0_i32, %c0_i32_0 : i32, i32, i32
  }
  func.func @transform_2(%arg0: i32) -> (i32, i32) {
    %c0_i32 = arith.constant 0 : i32
    %c0_i32_0 = arith.constant 0 : i32
    %c0_i32_1 = arith.constant 0 : i32
    return %c0_i32, %c0_i32_0 : i32, i32
  }
  func.func @transform_3(%arg0: i32) -> (i32, i32, i32) {
    %c0_i32 = arith.constant 0 : i32
    %c0_i32_0 = arith.constant 0 : i32
    %c0_i32_1 = arith.constant 0 : i32
    return %arg0, %c0_i32, %c0_i32_0 : i32, i32, i32
  }
  func.func @transform_4(%arg0: i32) -> (i32, i32) {
    %c0_i32 = arith.constant 0 : i32
    %c0_i32_0 = arith.constant 0 : i32
    %c0_i32_1 = arith.constant 0 : i32
    return %c0_i32, %c0_i32_0 : i32, i32
  }
  func.func @transform_5(%arg0: i32) -> (i32, i32) {
    %c0_i32 = arith.constant 0 : i32
    %c0_i32_0 = arith.constant 0 : i32
    %c0_i32_1 = arith.constant 0 : i32
    return %c0_i32, %c0_i32_0 : i32, i32
  }
  func.func @transform_6(%arg0: i32) -> (i32, i32) {
    %c0_i32 = arith.constant 0 : i32
    %c0_i32_0 = arith.constant 0 : i32
    %c0_i32_1 = arith.constant 0 : i32
    return %c0_i32, %c0_i32_0 : i32, i32
  }
}

</mosaic_0001>

<sc_bundles>
// kernel: kernel.11.cloned.1.call-start
scs
__scs_entry_jumppad:
0x0: {  	(pc) =	sbr.rel $0x88, $3  }
0x1: {  	(tag) =	ssettag $0x0;
	lr =	simm.s32 $0x1  }
0x2: {  	[smem:$0x3F98] =	sst lr;
	_ =	strace $0xD0000000  }
0x3: {  	_ = 	snop  }
0x4: {  	_ = 	snop  }
0x5: {  	_ = 	snop  }
0x6: {  	_ = 	snop  }
0x7: {  	_ = 	snop  }
__scs_overlays_trampoline_lowered:
0x8: {  	[smem:$0x3FA7] =	sst s0  }
0x9: {  	[smem:$0x3FA8] =	sst s1  }
0xa: {  	[smem:$0x3FA9] =	sst s2  }
0xb: {  	[smem:$0x3FAA] =	sst s3  }
0xc: {  	[smem:$0x3FAB] =	sst s4  }
0xd: {  	[smem:$0x3FAC] =	sst s5  }
0xe: {  	[smem:$0x3FAD] =	sst s6  }
0xf: {  	[smem:$0x3FAE] =	sst s7  }
0x10: {  	[smem:$0x3FAF] =	sst s8  }
0x11: {  	[smem:$0x3FB0] =	sst s9;
	s0 =	simm.s32 @!p0 $0x0  }
0x12: {  	s1 =	sld [smem:$0x3F96];
	s0 =	simm.s32 @p0 $0x1  }
0x13: {  	[smem:$0x3FB1] =	sst s0;
	s0 =	simm.s32 @!p1 $0x0  }
0x14: {  	s2 =	sld [smem:$0x3F95];
	s0 =	simm.s32 @p1 $0x1  }
0x15: {  	[smem:$0x3FB2] =	sst s0;
	s0 =	simm.s32 @!p2 $0x0  }
0x16: {  	s3 =	sld [smem:$0x3FDB];
	s0 =	simm.s32 @p2 $0x1  }
0x17: {  	s4 =	simm.s32 $0x1BF5;
	[smem:$0x3FB4] =	sst s0  }
0x18: {  	s0 =	sld [smem:$0x3F97];
	_ =	swait.ge [sflag:s4], $0x0  }
0x19: {  	s7 =	sld [smem:$0x3F98]  }
0x1a: {  	s8 =	sadd.s32 $0xFFFFE003, lr  }
0x1b: {  	s9 =	sadd.s32 $0xFFFFFEF7, lr;
	s5 =	simm.s32 $0xFFFFFFFF;
	p2 =	slt.u32 s8, $0xFFFFF086  }
0x1c: {  	p1 =	slt.u32 s9, $0xF7A;
	s5 =	simm.s32 @!p2 $0x0  }
0x1d: {  	s5 =	simm.s32 @p1 $0x1;
	p0 =	seq.s32 s7, s2  }
0x1e: {  	s7 =	smul.u32 @!p0 $0xF7A, s2;
	p2 =	seq.s32 @!p0 s5, $0x0  }
0x1f: {  	s9 =	smul.u32 $0xF7A, s1;
	s8 =	simm.s32 @!p0 $0x1BF5;
	p2 =	por !p2, p0  }
0x20: {  	[sflag:s8] =	ssyncset.s32 @!p0 $0xFFFFF086;
	s6 =	sadd.s32 @!p0 s3, s7;
	s7 =	simm.s32 @!p0 $0x108  }
0x21: {  	s3 =	sadd.s32 s3, s9;
	s6 =	sadd.s32 @!p0 $0x88, s6;
	s7 =	simm.s32 @p2 $0x1082  }
0x22: {  	[simem:s7], [sflag:s8] =	dma.local @!p0 [hbm:s6], $0xF7A  }
0x23: {  	s9 =	sor.u32 $0xD0000000, s2;
	s6 =	simm.s32 $0x108;
	_ =	swait.ge @!p0 [sflag:s8], $0x0  }
0x24: {  	s3 =	sadd.s32 $0x88, s3;
	s6 =	simm.s32 @!p1 $0x1082;
	[sflag:s4] =	ssyncset.s32 $0xFFFFF086  }
0x25: {  	[simem:s6], [sflag:s4] =	dma.local [hbm:s3], $0xF7A  }
0x26: {  	[smem:$0x3F98] =	sst s1;
	(tag) =	ssettag s2;
	_ =	strace s9  }
0x27: {  	s1 =	sld [smem:$0x3FA8]  }
0x28: {  	s2 =	sld [smem:$0x3FA9]  }
0x29: {  	s4 =	sld [smem:$0x3FAB]  }
0x2a: {  	p0 =	seq.s32 s5, $0x0;
	s5 =	sld [smem:$0x3FAC]  }
0x2b: {  	s6 =	sld [smem:$0x3FAD]  }
0x2c: {  	s7 =	sld [smem:$0x3FAE]  }
0x2d: {  	s3 =	simm.s32 $0x108;
	s8 =	sld [smem:$0x3FAF]  }
0x2e: {  	s3 =	simm.s32 @!p0 $0x1082;
	s9 =	sld [smem:$0x3FB0]  }
0x2f: {  	lr =	sadd.s32 s0, s3;
	s0 =	sld [smem:$0x3FA7]  }
0x30: {  	s3 =	sld [smem:$0x3FAA]  }
0x31: {  	[smem:$0x3FB3] =	sst s10  }
0x32: {  	s10 =	sld [smem:$0x3FB1];
	_ =	sdelay $0x3  }
0x33: {  	p0 =	seq.s32 s10, $0x1;
	s10 =	sld [smem:$0x3FB3];
	_ =	sdelay $0x3  }
0x34: {  	[smem:$0x3FB3] =	sst s10  }
0x35: {  	s10 =	sld [smem:$0x3FB2];
	_ =	sdelay $0x3  }
0x36: {  	p1 =	seq.s32 s10, $0x1;
	s10 =	sld [smem:$0x3FB3];
	_ =	sdelay $0x3  }
0x37: {  	[smem:$0x3FB3] =	sst s10  }
0x38: {  	s10 =	sld [smem:$0x3FB4]  }
0x39: {  	_ = 	snop;
	(pc) =	sbr.ind lr, $3  }
0x3a: {  	_ = 	snop  }
0x3b: {  	_ = 	snop  }
0x3c: {  	p2 =	seq.s32 s10, $0x1;
	s10 =	sld [smem:$0x3FB3]  }
0x3d: {  	_ =	shalt  }
0x3e: {  	_ =	shalt  }
0x3f: {  	_ =	shalt  }
0x40: {  	_ =	shalt  }
0x41: {  	_ =	shalt  }
0x42: {  	_ =	shalt  }
0x43: {  	_ =	shalt  }
0x44: {  	_ =	shalt  }
0x45: {  	_ =	shalt  }
0x46: {  	_ =	shalt  }
0x47: {  	_ =	shalt  }
0x48: {  	_ =	shalt  }
0x49: {  	_ =	shalt  }
0x4a: {  	_ =	shalt  }
0x4b: {  	_ =	shalt  }
0x4c: {  	_ =	shalt  }
0x4d: {  	_ =	shalt  }
0x4e: {  	_ =	shalt  }
0x4f: {  	_ =	shalt  }
0x50: {  	_ =	shalt  }
0x51: {  	_ =	shalt  }
0x52: {  	_ =	shalt  }
0x53: {  	_ =	shalt  }
0x54: {  	_ =	shalt  }
0x55: {  	_ =	shalt  }
0x56: {  	_ =	shalt  }
0x57: {  	_ =	shalt  }
0x58: {  	_ =	shalt  }
0x59: {  	_ =	shalt  }
0x5a: {  	_ =	shalt  }
0x5b: {  	_ =	shalt  }
0x5c: {  	_ =	shalt  }
0x5d: {  	_ =	shalt  }
0x5e: {  	_ =	shalt  }
0x5f: {  	_ =	shalt  }
0x60: {  	_ =	shalt  }
0x61: {  	_ =	shalt  }
0x62: {  	_ =	shalt  }
0x63: {  	_ =	shalt  }
0x64: {  	_ =	shalt  }
0x65: {  	_ =	shalt  }
0x66: {  	_ =	shalt  }
0x67: {  	_ =	shalt  }
0x68: {  	_ =	shalt  }
0x69: {  	_ =	shalt  }
0x6a: {  	_ =	shalt  }
0x6b: {  	_ =	shalt  }
0x6c: {  	_ =	shalt  }
0x6d: {  	_ =	shalt  }
0x6e: {  	_ =	shalt  }
0x6f: {  	_ =	shalt  }
0x70: {  	_ =	shalt  }
0x71: {  	_ =	shalt  }
0x72: {  	_ =	shalt  }
0x73: {  	_ =	shalt  }
0x74: {  	_ =	shalt  }
0x75: {  	_ =	shalt  }
0x76: {  	_ =	shalt  }
0x77: {  	_ =	shalt  }
0x78: {  	_ =	shalt  }
0x79: {  	_ =	shalt  }
0x7a: {  	_ =	shalt  }
0x7b: {  	_ =	shalt  }
0x7c: {  	_ =	shalt  }
0x7d: {  	_ =	shalt  }
0x7e: {  	_ =	shalt  }
0x7f: {  	_ =	shalt  }
0x80: {  	_ =	shalt  }
0x81: {  	_ =	shalt  }
0x82: {  	_ =	shalt  }
0x83: {  	_ =	shalt  }
0x84: {  	_ =	shalt  }
0x85: {  	_ =	shalt  }
0x86: {  	_ =	shalt  }
0x87: {  	_ =	shalt  }
.Lfunc_end0:
.L_simem_size_0:
called_computation.1_lowered:
.L_overlay_start_0:
0x88: {  	s2 =	sld [smem:$0x3FD9]  }
0x89: {  	s3 =	sld [smem:$0x3FFE];
	_ =	sdelay $0x1  }
0x8a: {  	s1 =	srdreg.scid  }
0x8b: {  	s0 =	sand.u32 $0x1, s1  }
0x8c: {  	s16 =	sshll.u32 s0, $0xA;
	s2 =	sadd.s32 s3, s2  }
0x8d: {  	s2 =	sadd.s32 s2, s16  }
0x8e: {  	[smem:$0x3FBF] =	sst s2  }
0x8f: {  	_ = 	snop  }
0x90: {  	(tm) =	ssettm $0x1  }
0x91: {  	s17 =	sld [smem:$0x3FFB];
	_ =	sdelay $0x3  }
0x92: {  	_ =	strace s17  }
0x93: {  	s2 =	sld [smem:$0x3FFC];
	_ =	sdelay $0x3  }
0x94: {  	_ =	strace s2  }
0x95: {  	s2 =	sld [smem:$0x3FFD];
	_ =	sdelay $0x3  }
0x96: {  	_ =	strace s2  }
0x97: {  	_ =	strace $0x8FFFFFFF  }
0x98: {  	s18 =	sld [smem:$0x3FDB];
	_ =	sdelay $0x1  }
0x99: {  	s19 =	simm.s32 $_scs_section_size  }
0x9a: {  	s4 =	simm.s32 $_size__tile_overlayer_lowered;
	s5 =	simm.s32 $_tile_overlayer_lowered  }
0x9b: {  	s22 =	simm.s32 $0x1BFF;
	s21 =	sshll.u32 s5, $0x1;
	s2 =	sadd.s32 s19, s18  }
0x9c: {  	s6 =	simm.s32 $0x0;
	s20 =	sshll.u32 s4, $0x1;
	s4 =	sadd.s32 s21, s2  }
0x9d: {  	[timem:s6], [sflag:s22] =	dma.local [hbm:s4], s20  }
0x9e: {  	_ =	swait.ge [sflag:s22], s20  }
0x9f: {  	s3 =	ssub.s32 $0x0, s20;
	[sflag:s22] =	ssyncset.done $0x0  }
0xa0: {  	[sflag:s22] =	ssyncadd.s32 s3;
	_ =	sdelay $0x1  }
0xa1: {  	s23 =	simm.s32 $0x1B8B  }
0xa2: {  	_ =	swait.ge [sflag:s23], $0x1  }
0xa3: {  	[sflag:s23] =	ssyncset.done $0x0  }
0xa4: {  	s25 =	simm.s32 $0x1B8E;
	s24 =	sld [smem:$0x3FFE];
	[sflag:s23] =	ssyncadd.s32 $0xFFFFFFFF  }
0xa5: {  	s26 =	simm.s32 $execute0_lowered;
	[smem:$0x3FD2] =	sst s25  }
0xa6: {  	s4 =	sshll.u32 s26, $0x1;
	_ =	strace $0x80000049;
	[dreg:$0x1] =	wrdreg $0xFFFFFFFF  }
0xa7: {  	s28 =	simm.s32 $_size_execute0_lowered;
	s2 =	sadd.s32 s2, s4;
	[dreg:$0x0] =	wrdreg $0x0  }
0xa8: {  	s4 =	sshll.u32 s28, $0x1;
	[dreg:$0x2] =	wrdreg s2  }
0xa9: {  	[dreg:$0x3] =	wrdreg s4  }
0xaa: {  	[dreg:$0x4] =	wrdreg $0xC0  }
0xab: {  	_ =	task [dreg:s6], $0x5FFFF  }
0xac: {  	[dreg:$0x1] =	wrdreg $0xFFFFFFFF  }
0xad: {  	[dreg:$0x0] =	wrdreg $0x60  }
0xae: {  	[dreg:$0x2] =	wrdreg s24  }
0xaf: {  	[dreg:$0x3] =	wrdreg $0x0  }
0xb0: {  	[dreg:$0x4] =	wrdreg $0x9  }
0xb1: {  	_ =	task.clear_ibuf [dreg:s6], $0x5FFFF;
	_ =	strace $0x90000049  }
0xb2: {  	s29 =	simm.s32 $0x9;
	_ =	strace $0x8000004B  }
0xb3: {  	_ =	swait.ge [sflag:s29], $0x1  }
0xb4: {  	[sflag:s29] =	ssyncadd.s32 $0xFFFFFFFF  }
0xb5: {  	_ =	strace $0x9000004B  }
0xb6: {  	_ =	sfence  }
0xb7: {  	s30 =	sld [smem:$0x0];
	_ =	sdelay $0x2  }
0xb8: {  	s31 =	sshll.u32 s1, $0xD;
	s1 =	sshrl.u32 s1, $0x2  }
0xb9: {  	s3 =	sand.u32 $0x4000, s31;
	s1 =	sadd.s32 s1, s30  }
0xba: {  	s0 =	sor.u32 s3, s0;
	s1 =	sshll.u32 s1, $0x11  }
0xbb: {  	s0 =	sor.u32 s1, s0  }
0xbc: {  	s0 =	sadd.s32 $0x8F2B, s0  }
0xbd: {  	[sflag:s0] =	ssyncadd.remote.s32 $0x1  }
0xbe: {  	_ =	sfence.sel $0xFFFF  }
0xbf: {  	[dreg:$0x0] =	wrdreg $0xFFFFFFFF;
	(pc) =	sbr.abs _section_cstart, $3  }
0xc0: {  	[dreg:$0x1] =	wrdreg $0xFFFFFFFF  }
0xc1: {  	_ =	task.clear_ibuf [dreg:s6], $0x2FFFF;
	_ =	strace $0x9FFFFFFF  }
0xc2: {  	(tm) =	ssettm $0x7FFFFFFF  }
0xc3: {  	_ =	shalt  }
tec
execute0_lowered:
.L_overlay_start_1:
0x0: {  	(tag) =	ssettag $0x1  }
0x1: {  	s0 =	rddreg [dreg:$0x0];
	s1 =	srdreg.scid  }
0x2: {  	s10 =	stileid.u32;
	s2 =	rddreg [dreg:$0x1]  }
0x3: {  	s16 =	simm.s32 $0x1A000;
	s17 =	simm.s32 $0x3;
	s20 =	simm.s32 $0x400  }
0x4: {  	s21 =	simm.s32 $0x17800;
	s22 =	simm.s32 $0x60;
	s23 =	simm.s32 $0x17860  }
0x5: {  	s25 =	simm.s32 $0x1D000;
	s28 =	simm.s32 $0x2;
	s9 =	smul.u32 $0x50000, s10  }
0x6: {  	s29 =	simm.s32 $0x17400;
	s6 =	sshrl.u32 s10, $0x2;
	s24 =	smul.u32 $0x2800, s10  }
0x7: {  	s1 =	sand.u32 $0x1, s1;
	s3 =	sshll.u32 s10, $0x1;
	s6 =	smul.u32 $0x14000, s6  }
0x8: {  	s30 =	simm.s32 $0x17480;
	s4 =	sor.u32 s1, s3;
	s26 =	smul.u32 $0x28000, s1  }
0x9: {  	s3 =	simm.s32 $0x0;
	s1 =	ssub.s32 $0x2, s1;
	s5 =	smul.u32 $0x700, s4  }
0xa: {  	[smem:$0x7FF] =	sst s3;
	s4 =	sshll.u32 s4, $0x7;
	s8 =	sshrl.u32 s1, $0x1  }
0xb: {  	s31 =	sshrl.u32 s9, $0x2;
	_ =	strace $0x8000004A;
	s7 =	sand.u32 $0x380, s4  }
0xc: {  	s4 =	sadd.s32 $0x2E000, s0;
	s1 =	ssub.s32 s1, s8;
	s5 =	sadd.s32 s5, s0  }
0xd: {  	s6 =	sor.u32 s6, s7;
	s7 =	sadd.s32 s31, s2;
	s8 =	smax.u32 s1, $0x1  }
0xe: {  	s6 =	sshrl.u32 s6, $0x3;
	s5 =	sadd.s32 $0x16000, s5;
	s9 =	sadd.s32 $0x2800, s7  }
0xf: {  	s10 =	sadd.s32 $0x5000, s7;
	s11 =	sadd.s32 $0x7800, s7;
	s12 =	sadd.s32 $0xA000, s7  }
0x10: {  	s13 =	sadd.s32 $0xC800, s7;
	s6 =	sadd.s32 s6, s0;
	s0 =	sadd.s32 s26, s0  }
0x11: {  	s14 =	sadd.s32 $0xF000, s7;
	s15 =	sadd.s32 $0x11800, s7;
	s0 =	sadd.s32 $0x55200, s0  }
0x12: {  	v0 =	vimm.f32 $0.0e+00;
	s26 =	simm.s32 $0x1;
	s6 =	sadd.s32 $0x24000, s6;
	s24 =	sadd.s32 s24, s0  }
.LBB2_1:
0x13: {  	s0 =	simm.s32 $0x70;
	s1 =	simm.s32 $0x3C0  }
.LBB2_2:
0x14: {  	p0 =	sne.s32 s1, $0x9FC0;
	[tilespmem:s0+$0x1A000] =	vst v0  }
0x15: {  	[tilespmem:s0+$0x19F90] =	vst v0  }
0x16: {  	[tilespmem:s0+$0x19FA0] =	vst v0  }
.Ltmp0:
0x17: {  	[tilespmem:s0+$0x19FB0] =	vst v0;
	(pc) =	sbr.rel @p0 .LBB2_2-.Ltmp0, $4  }
0x18: {  	[tilespmem:s0+$0x19FC0] =	vst v0  }
0x19: {  	[tilespmem:s0+$0x19FD0] =	vst v0  }
0x1a: {  	[tilespmem:s0+$0x19FE0] =	vst v0  }
0x1b: {  	[tilespmem:s0+$0x19FF0] =	vst v0;
	s0 =	sshra.s32 s1, $0x2;
	s1 =	sadd.s32 $0x200, s1  }
0x1c: {  	[tilespmem:s0+$0x1A000] =	vst v0  }
0x1d: {  	[tilespmem:s0+$0x19F90] =	vst v0  }
0x1e: {  	[tilespmem:s0+$0x19FA0] =	vst v0  }
0x1f: {  	[tilespmem:s0+$0x19FB0] =	vst v0  }
0x20: {  	[tilespmem:s0+$0x19FC0] =	vst v0  }
0x21: {  	[tilespmem:s0+$0x19FD0] =	vst v0  }
0x22: {  	[tilespmem:s0+$0x19FE0] =	vst v0  }
0x23: {  	[tilespmem:s0+$0x19FF0] =	vst v0  }
0x24: {  	[spmem:s7] =	stream.linear.scatter [tilespmem:s16], [sflag:$0x3], $0x2800, $0x38;
	v63 =	vld [tilespmem:$0x0]  }
0x25: {  	_ =	swait.ge [sflag:s17], $0x2800  }
0x26: {  	[sflag:s17] =	ssyncset.done $0x0  }
0x27: {  	[sflag:s17] =	ssyncadd.s32 $0xFFFFD800  }
0x28: {  	[spmem:s9] =	stream.linear.scatter [tilespmem:s16], [sflag:$0x3], $0x2800, $0x38;
	v63 =	vld [tilespmem:$0x0]  }
0x29: {  	_ =	swait.ge [sflag:s17], $0x2800  }
0x2a: {  	[sflag:s17] =	ssyncset.done $0x0  }
0x2b: {  	[sflag:s17] =	ssyncadd.s32 $0xFFFFD800  }
0x2c: {  	[spmem:s10] =	stream.linear.scatter [tilespmem:s16], [sflag:$0x3], $0x2800, $0x38;
	v63 =	vld [tilespmem:$0x0]  }
0x2d: {  	_ =	swait.ge [sflag:s17], $0x2800  }
0x2e: {  	[sflag:s17] =	ssyncset.done $0x0  }
0x2f: {  	[sflag:s17] =	ssyncadd.s32 $0xFFFFD800  }
0x30: {  	[spmem:s11] =	stream.linear.scatter [tilespmem:s16], [sflag:$0x3], $0x2800, $0x38;
	v63 =	vld [tilespmem:$0x0]  }
0x31: {  	_ =	swait.ge [sflag:s17], $0x2800  }
0x32: {  	[sflag:s17] =	ssyncset.done $0x0  }
0x33: {  	[sflag:s17] =	ssyncadd.s32 $0xFFFFD800  }
0x34: {  	[spmem:s12] =	stream.linear.scatter [tilespmem:s16], [sflag:$0x3], $0x2800, $0x38;
	v63 =	vld [tilespmem:$0x0]  }
0x35: {  	_ =	swait.ge [sflag:s17], $0x2800  }
0x36: {  	[sflag:s17] =	ssyncset.done $0x0  }
0x37: {  	[sflag:s17] =	ssyncadd.s32 $0xFFFFD800  }
0x38: {  	[spmem:s13] =	stream.linear.scatter [tilespmem:s16], [sflag:$0x3], $0x2800, $0x38;
	v63 =	vld [tilespmem:$0x0]  }
0x39: {  	_ =	swait.ge [sflag:s17], $0x2800  }
0x3a: {  	[sflag:s17] =	ssyncset.done $0x0  }
0x3b: {  	[sflag:s17] =	ssyncadd.s32 $0xFFFFD800  }
0x3c: {  	[spmem:s14] =	stream.linear.scatter [tilespmem:s16], [sflag:$0x3], $0x2800, $0x38;
	v63 =	vld [tilespmem:$0x0]  }
0x3d: {  	_ =	swait.ge [sflag:s17], $0x2800  }
0x3e: {  	[sflag:s17] =	ssyncset.done $0x0  }
0x3f: {  	[sflag:s17] =	ssyncadd.s32 $0xFFFFD800  }
0x40: {  	[spmem:s15] =	stream.linear.scatter [tilespmem:s16], [sflag:$0x3], $0x2800, $0x38;
	v63 =	vld [tilespmem:$0x0]  }
0x41: {  	_ =	swait.ge [sflag:s17], $0x2800  }
0x42: {  	[sflag:s17] =	ssyncset.done $0x0  }
0x43: {  	s18 =	simm.s32 $0x0;
	s1 =	simm.s32 $0x14000;
	[sflag:s17] =	ssyncadd.s32 $0xFFFFD800  }
0x44: {  	[tilespmem:s1], [sflag:$0x3] =	stream.linear.gather [hbm4b:s5+s18], $0x3500, $0x38;
	v63 =	vld [tilespmem:$0x0]  }
0x45: {  	_ =	swait.ge [sflag:s17], $0x3500  }
0x46: {  	[sflag:s17] =	ssyncset.done $0x0  }
0x47: {  	s19 =	simm.s32 $0x80;
	[sflag:s17] =	ssyncadd.s32 $0xFFFFCB00  }
0x48: {  	[tilespmem:s21], [sflag:$0x3] =	stream.strided.gather [hbm4b:s6+s19], $0x2800, s20, s19, $0x38;
	v63 =	vld [tilespmem:$0x0]  }
0x49: {  	_ =	swait.ge [sflag:s17], $0x2800  }
0x4a: {  	[sflag:s17] =	ssyncset.done $0x0  }
0x4b: {  	[sflag:s17] =	ssyncadd.s32 $0xFFFFD800  }
0x4c: {  	[bflag:$0x0] =	sbarrier.arrive $0xFFFF  }
0x4d: {  	[tilespmem:s16], [sflag:$0x1] =	stream.indirect.gather [hbm4b:s4+s22], $0x80, s21, s22, $0xb8;
	v63 =	vld [tilespmem:$0x0]  }
0x4e: {  	_ = 	snop  }
0x4f: {  	[tilespmem:s25], [sflag:$0x2] =	stream.indirect.gather [hbm4b:s4+s22], $0x80, s23, s22, $0xb8;
	v63 =	vld [tilespmem:$0x0]  }
0x50: {  	_ =	swait.ge [sflag:s26], $0x3000  }
0x51: {  	[sflag:s26] =	ssyncset.done $0x0  }
0x52: {  	s1 =	simm.s32 $0x14000;
	[sflag:s26] =	ssyncadd.s32 $0xFFFFD000  }
0x53: {  	[spmem:s2] =	stream.indirect.scatter.add.f32 [tilespmem:s16], [sflag:$0x3], $0x80, s1, s22, $0xb8;
	v63 =	vld [tilespmem:$0x0]  }
0x54: {  	_ =	swait.ge [sflag:s17], $0x3000  }
0x55: {  	[sflag:s17] =	ssyncset.done $0x0  }
0x56: {  	s18 =	simm.s32 $0x178C0;
	[sflag:s17] =	ssyncadd.s32 $0xFFFFD000  }
0x57: {  	[tilespmem:s16], [sflag:$0x1] =	stream.indirect.gather [hbm4b:s4+s22], $0x80, s18, s22, $0xb8;
	v63 =	vld [tilespmem:$0x0]  }
0x58: {  	_ =	swait.ge [sflag:s28], $0x3000  }
0x59: {  	[sflag:s28] =	ssyncset.done $0x0  }
0x5a: {  	s19 =	simm.s32 $0x14080;
	[sflag:s28] =	ssyncadd.s32 $0xFFFFD000  }
0x5b: {  	[spmem:s2] =	stream.indirect.scatter.add.f32 [tilespmem:s25], [sflag:$0x3], $0x80, s19, s22, $0xb8;
	v63 =	vld [tilespmem:$0x0]  }
0x5c: {  	_ =	swait.ge [sflag:s17], $0x3000  }
0x5d: {  	s31 =	simm.s32 $0x17920;
	[sflag:s17] =	ssyncset.done $0x0  }
0x5e: {  	s0 =	simm.s32 $0x179E0;
	s1 =	simm.s32 $0x400;
	[sflag:s17] =	ssyncadd.s32 $0xFFFFD000  }
.LBB2_4:
0x5f: {  	[tilespmem:s25], [sflag:$0x2] =	stream.indirect.gather [hbm4b:s4+s22], $0x80, s31, s22, $0xb8;
	v63 =	vld [tilespmem:$0x0]  }
0x60: {  	s18 =	smov.u32 s1;
	s31 =	smov.u32 s0  }
0x61: {  	p0 =	sne.s32 s1, $0xCC00;
	s1 =	sadd.s32 $0x400, s1;
	_ =	swait.ge [sflag:s26], $0x3000  }
0x62: {  	s18 =	sshra.s32 s18, $0x2;
	[sflag:s26] =	ssyncset.done $0x0  }
0x63: {  	s19 =	sadd.s32 $0x14000, s18;
	[sflag:s26] =	ssyncadd.s32 $0xFFFFD000  }
0x64: {  	[spmem:s2] =	stream.indirect.scatter.add.f32 [tilespmem:s16], [sflag:$0x3], $0x80, s19, s22, $0xb8;
	v63 =	vld [tilespmem:$0x0]  }
0x65: {  	_ =	swait.ge [sflag:s17], $0x3000  }
0x66: {  	[sflag:s17] =	ssyncset.done $0x0  }
0x67: {  	s19 =	sadd.s32 $0xFFFFFFA0, s0;
	[sflag:s17] =	ssyncadd.s32 $0xFFFFD000  }
0x68: {  	[tilespmem:s16], [sflag:$0x1] =	stream.indirect.gather [hbm4b:s4+s22], $0x80, s19, s22, $0xb8;
	v63 =	vld [tilespmem:$0x0]  }
0x69: {  	_ =	swait.ge [sflag:s28], $0x3000  }
0x6a: {  	[sflag:s28] =	ssyncset.done $0x0  }
.Ltmp1:
0x6b: {  	s18 =	sadd.s32 $0x14080, s18;
	[sflag:s28] =	ssyncadd.s32 $0xFFFFD000;
	(pc) =	sbr.rel @p0 .LBB2_4-.Ltmp1, $4  }
0x6c: {  	[spmem:s2] =	stream.indirect.scatter.add.f32 [tilespmem:s25], [sflag:$0x3], $0x80, s18, s22, $0xb8;
	v63 =	vld [tilespmem:$0x0]  }
0x6d: {  	_ =	swait.ge [sflag:s17], $0x3000  }
0x6e: {  	[sflag:s17] =	ssyncset.done $0x0  }
0x6f: {  	s0 =	sadd.s32 $0xC0, s0;
	[sflag:s17] =	ssyncadd.s32 $0xFFFFD000  }
0x70: {  	[tilespmem:s25], [sflag:$0x2] =	stream.indirect.gather [hbm4b:s4+s22], $0x80, s31, s22, $0xb8;
	v63 =	vld [tilespmem:$0x0]  }
0x71: {  	_ =	swait.ge [sflag:s26], $0x3000  }
0x72: {  	[sflag:s26] =	ssyncset.done $0x0  }
0x73: {  	[sflag:s26] =	ssyncadd.s32 $0xFFFFD000  }
0x74: {  	[spmem:s2] =	stream.indirect.scatter.add.f32 [tilespmem:s16], [sflag:$0x3], $0x80, s29, s22, $0xb8;
	v63 =	vld [tilespmem:$0x0]  }
0x75: {  	_ =	swait.ge [sflag:s17], $0x3000  }
0x76: {  	[sflag:s17] =	ssyncset.done $0x0  }
0x77: {  	[sflag:s17] =	ssyncadd.s32 $0xFFFFD000  }
0x78: {  	_ =	swait.ge [sflag:s28], $0x3000  }
0x79: {  	[sflag:s28] =	ssyncset.done $0x0  }
0x7a: {  	[sflag:s28] =	ssyncadd.s32 $0xFFFFD000  }
0x7b: {  	[spmem:s2] =	stream.indirect.scatter.add.f32 [tilespmem:s25], [sflag:$0x3], $0x80, s30, s22, $0xb8;
	v63 =	vld [tilespmem:$0x0]  }
0x7c: {  	s0 =	stileid.u32;
	_ =	swait.ge [sflag:s17], $0x3000  }
0x7d: {  	s1 =	sshrl.u32 s7, $0x3;
	s3 =	sadd.s32 $0x1, s3;
	[sflag:s17] =	ssyncset.done $0x0  }
0x7e: {  	s0 =	sshll.u32 s0, $0x6;
	p0 =	sne.s32 s3, s8;
	[sflag:s17] =	ssyncadd.s32 $0xFFFFD000  }
.Ltmp2:
0x7f: {  	s0 =	sor.u32 $0x1C03, s0;
	[bflag:$0x0] =	sbarrier.arrive $0xFFFF;
	(pc) =	sbr.rel @p0 .LBB2_1-.Ltmp2, $4  }
0x80: {  	[hbm:s24], [sflag:s0] =	dma.local [spmem:s1], $0x2800  }
0x81: {  	_ =	swait.ge [sflag:s17], $0x2800  }
0x82: {  	[sflag:s17] =	ssyncset.done $0x0  }
0x83: {  	[sflag:s17] =	ssyncadd.s32 $0xFFFFD800  }
0x84: {  	_ =	sfence.sel $0x180000  }
0x85: {  	[bflag:$0x0] =	sbarrier.arrive $0xFFFF  }
0x86: {  	_ =	strace $0x9000004A  }
0x87: {  	s0 =	stileid.u32;
	[bflag:$0x2] =	sbarrier.arrive $0xFFFF  }
0x88: {  	p0 =	sne.s32 s0, $0x0;
	s0 =	rddreg [dreg:$0x2]  }
0x89: {  	s0 =	sadd.s32 @!p0 $0x100000, s0  }
0x8a: {  	[sflag:s0] =	ssyncadd.tile.s32 @!p0 $0x1;
	_ =	shalt  }
.Lfunc_end2:
_tile_overlayer_lowered:
.L_overlay_start_2:
0x8b: {  	(tag) =	ssettag $0x2  }
0x8c: {  	s0 =	rddreg [dreg:$0x0];
	s2 =	stileid.u32  }
0x8d: {  	s1 =	rddreg [dreg:$0x1];
	p0 =	sne.s32 s2, $0x0  }
0x8e: {  	s3 =	rddreg [dreg:$0x2];
	[bflag:$0x3] =	sbarrier.arrive $0xFFFF;
	s2 =	simm.s32 @!p0 $0x1C03  }
0x8f: {  	[timem:s3], [sflag:s2] =	dma.local @!p0 [hbm:s0], s1  }
0x90: {  	s0 =	simm.s32 @!p0 $0x3  }
0x91: {  	_ =	swait.ge @!p0 [sflag:s0], s1  }
0x92: {  	s1 =	ssub.s32 @!p0 $0x0, s1;
	[sflag:s0] =	ssyncset.done @!p0 $0x0  }
0x93: {  	[sflag:s0] =	ssyncadd.s32 @!p0 s1  }
0x94: {  	[bflag:$0x3] =	sbarrier.arrive $0xFFFF  }
0x95: {  	_ =	shalt  }

// kernel: kernel.14.cloned.1.call-start
scs
__scs_entry_jumppad:
0x0: {  	(pc) =	sbr.rel $0x88, $3  }
0x1: {  	(tag) =	ssettag $0x0;
	lr =	simm.s32 $0x1  }
0x2: {  	[smem:$0x3F98] =	sst lr;
	_ =	strace $0xD0000000  }
0x3: {  	_ = 	snop  }
0x4: {  	_ = 	snop  }
0x5: {  	_ = 	snop  }
0x6: {  	_ = 	snop  }
0x7: {  	_ = 	snop  }
__scs_overlays_trampoline_lowered:
0x8: {  	[smem:$0x3FA7] =	sst s0  }
0x9: {  	[smem:$0x3FA8] =	sst s1  }
0xa: {  	[smem:$0x3FA9] =	sst s2  }
0xb: {  	[smem:$0x3FAA] =	sst s3  }
0xc: {  	[smem:$0x3FAB] =	sst s4  }
0xd: {  	[smem:$0x3FAC] =	sst s5  }
0xe: {  	[smem:$0x3FAD] =	sst s6  }
0xf: {  	[smem:$0x3FAE] =	sst s7  }
0x10: {  	[smem:$0x3FAF] =	sst s8  }
0x11: {  	[smem:$0x3FB0] =	sst s9;
	s0 =	simm.s32 @!p0 $0x0  }
0x12: {  	s1 =	sld [smem:$0x3F96];
	s0 =	simm.s32 @p0 $0x1  }
0x13: {  	[smem:$0x3FB1] =	sst s0;
	s0 =	simm.s32 @!p1 $0x0  }
0x14: {  	s2 =	sld [smem:$0x3F95];
	s0 =	simm.s32 @p1 $0x1  }
0x15: {  	[smem:$0x3FB2] =	sst s0;
	s0 =	simm.s32 @!p2 $0x0  }
0x16: {  	s3 =	sld [smem:$0x3FDB];
	s0 =	simm.s32 @p2 $0x1  }
0x17: {  	s4 =	simm.s32 $0x1BF5;
	[smem:$0x3FB4] =	sst s0  }
0x18: {  	s0 =	sld [smem:$0x3F97];
	_ =	swait.ge [sflag:s4], $0x0  }
0x19: {  	s7 =	sld [smem:$0x3F98]  }
0x1a: {  	s8 =	sadd.s32 $0xFFFFE003, lr  }
0x1b: {  	s9 =	sadd.s32 $0xFFFFFEF7, lr;
	s5 =	simm.s32 $0xFFFFFFFF;
	p2 =	slt.u32 s8, $0xFFFFF086  }
0x1c: {  	p1 =	slt.u32 s9, $0xF7A;
	s5 =	simm.s32 @!p2 $0x0  }
0x1d: {  	s5 =	simm.s32 @p1 $0x1;
	p0 =	seq.s32 s7, s2  }
0x1e: {  	s7 =	smul.u32 @!p0 $0xF7A, s2;
	p2 =	seq.s32 @!p0 s5, $0x0  }
0x1f: {  	s9 =	smul.u32 $0xF7A, s1;
	s8 =	simm.s32 @!p0 $0x1BF5;
	p2 =	por !p2, p0  }
0x20: {  	[sflag:s8] =	ssyncset.s32 @!p0 $0xFFFFF086;
	s6 =	sadd.s32 @!p0 s3, s7;
	s7 =	simm.s32 @!p0 $0x108  }
0x21: {  	s3 =	sadd.s32 s3, s9;
	s6 =	sadd.s32 @!p0 $0x88, s6;
	s7 =	simm.s32 @p2 $0x1082  }
0x22: {  	[simem:s7], [sflag:s8] =	dma.local @!p0 [hbm:s6], $0xF7A  }
0x23: {  	s9 =	sor.u32 $0xD0000000, s2;
	s6 =	simm.s32 $0x108;
	_ =	swait.ge @!p0 [sflag:s8], $0x0  }
0x24: {  	s3 =	sadd.s32 $0x88, s3;
	s6 =	simm.s32 @!p1 $0x1082;
	[sflag:s4] =	ssyncset.s32 $0xFFFFF086  }
0x25: {  	[simem:s6], [sflag:s4] =	dma.local [hbm:s3], $0xF7A  }
0x26: {  	[smem:$0x3F98] =	sst s1;
	(tag) =	ssettag s2;
	_ =	strace s9  }
0x27: {  	s1 =	sld [smem:$0x3FA8]  }
0x28: {  	s2 =	sld [smem:$0x3FA9]  }
0x29: {  	s4 =	sld [smem:$0x3FAB]  }
0x2a: {  	p0 =	seq.s32 s5, $0x0;
	s5 =	sld [smem:$0x3FAC]  }
0x2b: {  	s6 =	sld [smem:$0x3FAD]  }
0x2c: {  	s7 =	sld [smem:$0x3FAE]  }
0x2d: {  	s3 =	simm.s32 $0x108;
	s8 =	sld [smem:$0x3FAF]  }
0x2e: {  	s3 =	simm.s32 @!p0 $0x1082;
	s9 =	sld [smem:$0x3FB0]  }
0x2f: {  	lr =	sadd.s32 s0, s3;
	s0 =	sld [smem:$0x3FA7]  }
0x30: {  	s3 =	sld [smem:$0x3FAA]  }
0x31: {  	[smem:$0x3FB3] =	sst s10  }
0x32: {  	s10 =	sld [smem:$0x3FB1];
	_ =	sdelay $0x3  }
0x33: {  	p0 =	seq.s32 s10, $0x1;
	s10 =	sld [smem:$0x3FB3];
	_ =	sdelay $0x3  }
0x34: {  	[smem:$0x3FB3] =	sst s10  }
0x35: {  	s10 =	sld [smem:$0x3FB2];
	_ =	sdelay $0x3  }
0x36: {  	p1 =	seq.s32 s10, $0x1;
	s10 =	sld [smem:$0x3FB3];
	_ =	sdelay $0x3  }
0x37: {  	[smem:$0x3FB3] =	sst s10  }
0x38: {  	s10 =	sld [smem:$0x3FB4]  }
0x39: {  	_ = 	snop;
	(pc) =	sbr.ind lr, $3  }
0x3a: {  	_ = 	snop  }
0x3b: {  	_ = 	snop  }
0x3c: {  	p2 =	seq.s32 s10, $0x1;
	s10 =	sld [smem:$0x3FB3]  }
0x3d: {  	_ =	shalt  }
0x3e: {  	_ =	shalt  }
0x3f: {  	_ =	shalt  }
0x40: {  	_ =	shalt  }
0x41: {  	_ =	shalt  }
0x42: {  	_ =	shalt  }
0x43: {  	_ =	shalt  }
0x44: {  	_ =	shalt  }
0x45: {  	_ =	shalt  }
0x46: {  	_ =	shalt  }
0x47: {  	_ =	shalt  }
0x48: {  	_ =	shalt  }
0x49: {  	_ =	shalt  }
0x4a: {  	_ =	shalt  }
0x4b: {  	_ =	shalt  }
0x4c: {  	_ =	shalt  }
0x4d: {  	_ =	shalt  }
0x4e: {  	_ =	shalt  }
0x4f: {  	_ =	shalt  }
0x50: {  	_ =	shalt  }
0x51: {  	_ =	shalt  }
0x52: {  	_ =	shalt  }
0x53: {  	_ =	shalt  }
0x54: {  	_ =	shalt  }
0x55: {  	_ =	shalt  }
0x56: {  	_ =	shalt  }
0x57: {  	_ =	shalt  }
0x58: {  	_ =	shalt  }
0x59: {  	_ =	shalt  }
0x5a: {  	_ =	shalt  }
0x5b: {  	_ =	shalt  }
0x5c: {  	_ =	shalt  }
0x5d: {  	_ =	shalt  }
0x5e: {  	_ =	shalt  }
0x5f: {  	_ =	shalt  }
0x60: {  	_ =	shalt  }
0x61: {  	_ =	shalt  }
0x62: {  	_ =	shalt  }
0x63: {  	_ =	shalt  }
0x64: {  	_ =	shalt  }
0x65: {  	_ =	shalt  }
0x66: {  	_ =	shalt  }
0x67: {  	_ =	shalt  }
0x68: {  	_ =	shalt  }
0x69: {  	_ =	shalt  }
0x6a: {  	_ =	shalt  }
0x6b: {  	_ =	shalt  }
0x6c: {  	_ =	shalt  }
0x6d: {  	_ =	shalt  }
0x6e: {  	_ =	shalt  }
0x6f: {  	_ =	shalt  }
0x70: {  	_ =	shalt  }
0x71: {  	_ =	shalt  }
0x72: {  	_ =	shalt  }
0x73: {  	_ =	shalt  }
0x74: {  	_ =	shalt  }
0x75: {  	_ =	shalt  }
0x76: {  	_ =	shalt  }
0x77: {  	_ =	shalt  }
0x78: {  	_ =	shalt  }
0x79: {  	_ =	shalt  }
0x7a: {  	_ =	shalt  }
0x7b: {  	_ =	shalt  }
0x7c: {  	_ =	shalt  }
0x7d: {  	_ =	shalt  }
0x7e: {  	_ =	shalt  }
0x7f: {  	_ =	shalt  }
0x80: {  	_ =	shalt  }
0x81: {  	_ =	shalt  }
0x82: {  	_ =	shalt  }
0x83: {  	_ =	shalt  }
0x84: {  	_ =	shalt  }
0x85: {  	_ =	shalt  }
0x86: {  	_ =	shalt  }
0x87: {  	_ =	shalt  }
.Lfunc_end0:
.L_simem_size_0:
called_computation.2_lowered:
.L_overlay_start_0:
0x88: {  	s2 =	sld [smem:$0x3FD9]  }
0x89: {  	s3 =	sld [smem:$0x3FFE];
	_ =	sdelay $0x1  }
0x8a: {  	s1 =	srdreg.scid  }
0x8b: {  	s0 =	sand.u32 $0x1, s1  }
0x8c: {  	s16 =	sshll.u32 s0, $0xA;
	s2 =	sadd.s32 s3, s2  }
0x8d: {  	s2 =	sadd.s32 s2, s16  }
0x8e: {  	[smem:$0x3FBF] =	sst s2  }
0x8f: {  	_ = 	snop  }
0x90: {  	(tm) =	ssettm $0x1  }
0x91: {  	s17 =	sld [smem:$0x3FFB];
	_ =	sdelay $0x3  }
0x92: {  	_ =	strace s17  }
0x93: {  	s2 =	sld [smem:$0x3FFC];
	_ =	sdelay $0x3  }
0x94: {  	_ =	strace s2  }
0x95: {  	s2 =	sld [smem:$0x3FFD];
	_ =	sdelay $0x3  }
0x96: {  	_ =	strace s2  }
0x97: {  	_ =	strace $0x8FFFFFFF  }
0x98: {  	s18 =	sld [smem:$0x3FDB];
	_ =	sdelay $0x1  }
0x99: {  	s19 =	simm.s32 $_scs_section_size  }
0x9a: {  	s4 =	simm.s32 $_size__tile_overlayer_lowered;
	s5 =	simm.s32 $_tile_overlayer_lowered  }
0x9b: {  	s22 =	simm.s32 $0x1BFF;
	s21 =	sshll.u32 s5, $0x1;
	s2 =	sadd.s32 s19, s18  }
0x9c: {  	s6 =	simm.s32 $0x0;
	s20 =	sshll.u32 s4, $0x1;
	s4 =	sadd.s32 s21, s2  }
0x9d: {  	[timem:s6], [sflag:s22] =	dma.local [hbm:s4], s20  }
0x9e: {  	_ =	swait.ge [sflag:s22], s20  }
0x9f: {  	s3 =	ssub.s32 $0x0, s20;
	[sflag:s22] =	ssyncset.done $0x0  }
0xa0: {  	[sflag:s22] =	ssyncadd.s32 s3;
	_ =	sdelay $0x1  }
0xa1: {  	s23 =	simm.s32 $0x1B8B  }
0xa2: {  	_ =	swait.ge [sflag:s23], $0x1  }
0xa3: {  	[sflag:s23] =	ssyncset.done $0x0  }
0xa4: {  	s25 =	simm.s32 $0x1B8E;
	s24 =	sld [smem:$0x3FFE];
	[sflag:s23] =	ssyncadd.s32 $0xFFFFFFFF  }
0xa5: {  	s26 =	simm.s32 $execute0_lowered;
	[smem:$0x3FD2] =	sst s25  }
0xa6: {  	s4 =	sshll.u32 s26, $0x1;
	_ =	strace $0x8000004C;
	[dreg:$0x1] =	wrdreg $0xFFFFFFFF  }
0xa7: {  	s28 =	simm.s32 $_size_execute0_lowered;
	s2 =	sadd.s32 s2, s4;
	[dreg:$0x0] =	wrdreg $0x0  }
0xa8: {  	s4 =	sshll.u32 s28, $0x1;
	[dreg:$0x2] =	wrdreg s2  }
0xa9: {  	[dreg:$0x3] =	wrdreg s4  }
0xaa: {  	[dreg:$0x4] =	wrdreg $0xC0  }
0xab: {  	_ =	task [dreg:s6], $0x5FFFF  }
0xac: {  	[dreg:$0x1] =	wrdreg $0xFFFFFFFF  }
0xad: {  	[dreg:$0x0] =	wrdreg $0x60  }
0xae: {  	[dreg:$0x2] =	wrdreg s24  }
0xaf: {  	[dreg:$0x3] =	wrdreg $0x0  }
0xb0: {  	[dreg:$0x4] =	wrdreg $0x9  }
0xb1: {  	_ =	task.clear_ibuf [dreg:s6], $0x5FFFF;
	_ =	strace $0x9000004C  }
0xb2: {  	s29 =	simm.s32 $0x9;
	_ =	strace $0x8000004E  }
0xb3: {  	_ =	swait.ge [sflag:s29], $0x1  }
0xb4: {  	[sflag:s29] =	ssyncadd.s32 $0xFFFFFFFF  }
0xb5: {  	_ =	strace $0x9000004E  }
0xb6: {  	_ =	sfence  }
0xb7: {  	s30 =	sld [smem:$0x0];
	_ =	sdelay $0x2  }
0xb8: {  	s31 =	sshll.u32 s1, $0xD;
	s1 =	sshrl.u32 s1, $0x2  }
0xb9: {  	s3 =	sand.u32 $0x4000, s31;
	s1 =	sadd.s32 s1, s30  }
0xba: {  	s0 =	sor.u32 s3, s0;
	s1 =	sshll.u32 s1, $0x11  }
0xbb: {  	s0 =	sor.u32 s1, s0  }
0xbc: {  	s0 =	sadd.s32 $0x8F2B, s0  }
0xbd: {  	[sflag:s0] =	ssyncadd.remote.s32 $0x1  }
0xbe: {  	_ =	sfence.sel $0xFFFF  }
0xbf: {  	[dreg:$0x0] =	wrdreg $0xFFFFFFFF;
	(pc) =	sbr.abs _section_cstart, $3  }
0xc0: {  	[dreg:$0x1] =	wrdreg $0xFFFFFFFF  }
0xc1: {  	_ =	task.clear_ibuf [dreg:s6], $0x2FFFF;
	_ =	strace $0x9FFFFFFF  }
0xc2: {  	(tm) =	ssettm $0x7FFFFFFF  }
0xc3: {  	_ =	shalt  }
tec
execute0_lowered:
.L_overlay_start_1:
0x0: {  	(tag) =	ssettag $0x1  }
0x1: {  	s0 =	rddreg [dreg:$0x0];
	s1 =	srdreg.scid  }
0x2: {  	s10 =	stileid.u32;
	s2 =	rddreg [dreg:$0x1]  }
0x3: {  	s16 =	simm.s32 $0x1A000;
	s17 =	simm.s32 $0x3;
	s20 =	simm.s32 $0x400  }
0x4: {  	s21 =	simm.s32 $0x17800;
	s22 =	simm.s32 $0x60;
	s23 =	simm.s32 $0x17860  }
0x5: {  	s25 =	simm.s32 $0x1D000;
	s28 =	simm.s32 $0x2;
	s9 =	smul.u32 $0x50000, s10  }
0x6: {  	s29 =	simm.s32 $0x17400;
	s6 =	sshrl.u32 s10, $0x2;
	s24 =	smul.u32 $0x2800, s10  }
0x7: {  	s1 =	sand.u32 $0x1, s1;
	s3 =	sshll.u32 s10, $0x1;
	s6 =	smul.u32 $0x14000, s6  }
0x8: {  	s30 =	simm.s32 $0x17480;
	s4 =	sor.u32 s1, s3;
	s26 =	smul.u32 $0x28000, s1  }
0x9: {  	s3 =	simm.s32 $0x0;
	s1 =	ssub.s32 $0x2, s1;
	s5 =	smul.u32 $0x700, s4  }
0xa: {  	[smem:$0x7FF] =	sst s3;
	s4 =	sshll.u32 s4, $0x7;
	s8 =	sshrl.u32 s1, $0x1  }
0xb: {  	s31 =	sshrl.u32 s9, $0x2;
	_ =	strace $0x8000004D;
	s7 =	sand.u32 $0x380, s4  }
0xc: {  	s4 =	sadd.s32 $0x2E000, s0;
	s1 =	ssub.s32 s1, s8;
	s5 =	sadd.s32 s5, s0  }
0xd: {  	s6 =	sor.u32 s6, s7;
	s7 =	sadd.s32 s31, s2;
	s8 =	smax.u32 s1, $0x1  }
0xe: {  	s6 =	sshrl.u32 s6, $0x3;
	s5 =	sadd.s32 $0x16000, s5;
	s9 =	sadd.s32 $0x2800, s7  }
0xf: {  	s10 =	sadd.s32 $0x5000, s7;
	s11 =	sadd.s32 $0x7800, s7;
	s12 =	sadd.s32 $0xA000, s7  }
0x10: {  	s13 =	sadd.s32 $0xC800, s7;
	s6 =	sadd.s32 s6, s0;
	s0 =	sadd.s32 s26, s0  }
0x11: {  	s14 =	sadd.s32 $0xF000, s7;
	s15 =	sadd.s32 $0x11800, s7;
	s0 =	sadd.s32 $0x55200, s0  }
0x12: {  	v0 =	vimm.f32 $0.0e+00;
	s26 =	simm.s32 $0x1;
	s6 =	sadd.s32 $0x24000, s6;
	s24 =	sadd.s32 s24, s0  }
.LBB2_1:
0x13: {  	s0 =	simm.s32 $0x70;
	s1 =	simm.s32 $0x3C0  }
.LBB2_2:
0x14: {  	p0 =	sne.s32 s1, $0x9FC0;
	[tilespmem:s0+$0x1A000] =	vst v0  }
0x15: {  	[tilespmem:s0+$0x19F90] =	vst v0  }
0x16: {  	[tilespmem:s0+$0x19FA0] =	vst v0  }
.Ltmp0:
0x17: {  	[tilespmem:s0+$0x19FB0] =	vst v0;
	(pc) =	sbr.rel @p0 .LBB2_2-.Ltmp0, $4  }
0x18: {  	[tilespmem:s0+$0x19FC0] =	vst v0  }
0x19: {  	[tilespmem:s0+$0x19FD0] =	vst v0  }
0x1a: {  	[tilespmem:s0+$0x19FE0] =	vst v0  }
0x1b: {  	[tilespmem:s0+$0x19FF0] =	vst v0;
	s0 =	sshra.s32 s1, $0x2;
	s1 =	sadd.s32 $0x200, s1  }
0x1c: {  	[tilespmem:s0+$0x1A000] =	vst v0  }
0x1d: {  	[tilespmem:s0+$0x19F90] =	vst v0  }
0x1e: {  	[tilespmem:s0+$0x19FA0] =	vst v0  }
0x1f: {  	[tilespmem:s0+$0x19FB0] =	vst v0  }
0x20: {  	[tilespmem:s0+$0x19FC0] =	vst v0  }
0x21: {  	[tilespmem:s0+$0x19FD0] =	vst v0  }
0x22: {  	[tilespmem:s0+$0x19FE0] =	vst v0  }
0x23: {  	[tilespmem:s0+$0x19FF0] =	vst v0  }
0x24: {  	[spmem:s7] =	stream.linear.scatter [tilespmem:s16], [sflag:$0x3], $0x2800, $0x38;
	v63 =	vld [tilespmem:$0x0]  }
0x25: {  	_ =	swait.ge [sflag:s17], $0x2800  }
0x26: {  	[sflag:s17] =	ssyncset.done $0x0  }
0x27: {  	[sflag:s17] =	ssyncadd.s32 $0xFFFFD800  }
0x28: {  	[spmem:s9] =	stream.linear.scatter [tilespmem:s16], [sflag:$0x3], $0x2800, $0x38;
	v63 =	vld [tilespmem:$0x0]  }
0x29: {  	_ =	swait.ge [sflag:s17], $0x2800  }
0x2a: {  	[sflag:s17] =	ssyncset.done $0x0  }
0x2b: {  	[sflag:s17] =	ssyncadd.s32 $0xFFFFD800  }
0x2c: {  	[spmem:s10] =	stream.linear.scatter [tilespmem:s16], [sflag:$0x3], $0x2800, $0x38;
	v63 =	vld [tilespmem:$0x0]  }
0x2d: {  	_ =	swait.ge [sflag:s17], $0x2800  }
0x2e: {  	[sflag:s17] =	ssyncset.done $0x0  }
0x2f: {  	[sflag:s17] =	ssyncadd.s32 $0xFFFFD800  }
0x30: {  	[spmem:s11] =	stream.linear.scatter [tilespmem:s16], [sflag:$0x3], $0x2800, $0x38;
	v63 =	vld [tilespmem:$0x0]  }
0x31: {  	_ =	swait.ge [sflag:s17], $0x2800  }
0x32: {  	[sflag:s17] =	ssyncset.done $0x0  }
0x33: {  	[sflag:s17] =	ssyncadd.s32 $0xFFFFD800  }
0x34: {  	[spmem:s12] =	stream.linear.scatter [tilespmem:s16], [sflag:$0x3], $0x2800, $0x38;
	v63 =	vld [tilespmem:$0x0]  }
0x35: {  	_ =	swait.ge [sflag:s17], $0x2800  }
0x36: {  	[sflag:s17] =	ssyncset.done $0x0  }
0x37: {  	[sflag:s17] =	ssyncadd.s32 $0xFFFFD800  }
0x38: {  	[spmem:s13] =	stream.linear.scatter [tilespmem:s16], [sflag:$0x3], $0x2800, $0x38;
	v63 =	vld [tilespmem:$0x0]  }
0x39: {  	_ =	swait.ge [sflag:s17], $0x2800  }
0x3a: {  	[sflag:s17] =	ssyncset.done $0x0  }
0x3b: {  	[sflag:s17] =	ssyncadd.s32 $0xFFFFD800  }
0x3c: {  	[spmem:s14] =	stream.linear.scatter [tilespmem:s16], [sflag:$0x3], $0x2800, $0x38;
	v63 =	vld [tilespmem:$0x0]  }
0x3d: {  	_ =	swait.ge [sflag:s17], $0x2800  }
0x3e: {  	[sflag:s17] =	ssyncset.done $0x0  }
0x3f: {  	[sflag:s17] =	ssyncadd.s32 $0xFFFFD800  }
0x40: {  	[spmem:s15] =	stream.linear.scatter [tilespmem:s16], [sflag:$0x3], $0x2800, $0x38;
	v63 =	vld [tilespmem:$0x0]  }
0x41: {  	_ =	swait.ge [sflag:s17], $0x2800  }
0x42: {  	[sflag:s17] =	ssyncset.done $0x0  }
0x43: {  	s18 =	simm.s32 $0x0;
	s1 =	simm.s32 $0x14000;
	[sflag:s17] =	ssyncadd.s32 $0xFFFFD800  }
0x44: {  	[tilespmem:s1], [sflag:$0x3] =	stream.linear.gather [hbm4b:s5+s18], $0x3500, $0x38;
	v63 =	vld [tilespmem:$0x0]  }
0x45: {  	_ =	swait.ge [sflag:s17], $0x3500  }
0x46: {  	[sflag:s17] =	ssyncset.done $0x0  }
0x47: {  	s19 =	simm.s32 $0x80;
	[sflag:s17] =	ssyncadd.s32 $0xFFFFCB00  }
0x48: {  	[tilespmem:s21], [sflag:$0x3] =	stream.strided.gather [hbm4b:s6+s19], $0x2800, s20, s19, $0x38;
	v63 =	vld [tilespmem:$0x0]  }
0x49: {  	_ =	swait.ge [sflag:s17], $0x2800  }
0x4a: {  	[sflag:s17] =	ssyncset.done $0x0  }
0x4b: {  	[sflag:s17] =	ssyncadd.s32 $0xFFFFD800  }
0x4c: {  	[bflag:$0x0] =	sbarrier.arrive $0xFFFF  }
0x4d: {  	[tilespmem:s16], [sflag:$0x1] =	stream.indirect.gather [hbm4b:s4+s22], $0x80, s21, s22, $0xb8;
	v63 =	vld [tilespmem:$0x0]  }
0x4e: {  	_ = 	snop  }
0x4f: {  	[tilespmem:s25], [sflag:$0x2] =	stream.indirect.gather [hbm4b:s4+s22], $0x80, s23, s22, $0xb8;
	v63 =	vld [tilespmem:$0x0]  }
0x50: {  	_ =	swait.ge [sflag:s26], $0x3000  }
0x51: {  	[sflag:s26] =	ssyncset.done $0x0  }
0x52: {  	s1 =	simm.s32 $0x14000;
	[sflag:s26] =	ssyncadd.s32 $0xFFFFD000  }
0x53: {  	[spmem:s2] =	stream.indirect.scatter.add.f32 [tilespmem:s16], [sflag:$0x3], $0x80, s1, s22, $0xb8;
	v63 =	vld [tilespmem:$0x0]  }
0x54: {  	_ =	swait.ge [sflag:s17], $0x3000  }
0x55: {  	[sflag:s17] =	ssyncset.done $0x0  }
0x56: {  	s18 =	simm.s32 $0x178C0;
	[sflag:s17] =	ssyncadd.s32 $0xFFFFD000  }
0x57: {  	[tilespmem:s16], [sflag:$0x1] =	stream.indirect.gather [hbm4b:s4+s22], $0x80, s18, s22, $0xb8;
	v63 =	vld [tilespmem:$0x0]  }
0x58: {  	_ =	swait.ge [sflag:s28], $0x3000  }
0x59: {  	[sflag:s28] =	ssyncset.done $0x0  }
0x5a: {  	s19 =	simm.s32 $0x14080;
	[sflag:s28] =	ssyncadd.s32 $0xFFFFD000  }
0x5b: {  	[spmem:s2] =	stream.indirect.scatter.add.f32 [tilespmem:s25], [sflag:$0x3], $0x80, s19, s22, $0xb8;
	v63 =	vld [tilespmem:$0x0]  }
0x5c: {  	_ =	swait.ge [sflag:s17], $0x3000  }
0x5d: {  	s31 =	simm.s32 $0x17920;
	[sflag:s17] =	ssyncset.done $0x0  }
0x5e: {  	s0 =	simm.s32 $0x179E0;
	s1 =	simm.s32 $0x400;
	[sflag:s17] =	ssyncadd.s32 $0xFFFFD000  }
.LBB2_4:
0x5f: {  	[tilespmem:s25], [sflag:$0x2] =	stream.indirect.gather [hbm4b:s4+s22], $0x80, s31, s22, $0xb8;
	v63 =	vld [tilespmem:$0x0]  }
0x60: {  	s18 =	smov.u32 s1;
	s31 =	smov.u32 s0  }
0x61: {  	p0 =	sne.s32 s1, $0xCC00;
	s1 =	sadd.s32 $0x400, s1;
	_ =	swait.ge [sflag:s26], $0x3000  }
0x62: {  	s18 =	sshra.s32 s18, $0x2;
	[sflag:s26] =	ssyncset.done $0x0  }
0x63: {  	s19 =	sadd.s32 $0x14000, s18;
	[sflag:s26] =	ssyncadd.s32 $0xFFFFD000  }
0x64: {  	[spmem:s2] =	stream.indirect.scatter.add.f32 [tilespmem:s16], [sflag:$0x3], $0x80, s19, s22, $0xb8;
	v63 =	vld [tilespmem:$0x0]  }
0x65: {  	_ =	swait.ge [sflag:s17], $0x3000  }
0x66: {  	[sflag:s17] =	ssyncset.done $0x0  }
0x67: {  	s19 =	sadd.s32 $0xFFFFFFA0, s0;
	[sflag:s17] =	ssyncadd.s32 $0xFFFFD000  }
0x68: {  	[tilespmem:s16], [sflag:$0x1] =	stream.indirect.gather [hbm4b:s4+s22], $0x80, s19, s22, $0xb8;
	v63 =	vld [tilespmem:$0x0]  }
0x69: {  	_ =	swait.ge [sflag:s28], $0x3000  }
0x6a: {  	[sflag:s28] =	ssyncset.done $0x0  }
.Ltmp1:
0x6b: {  	s18 =	sadd.s32 $0x14080, s18;
	[sflag:s28] =	ssyncadd.s32 $0xFFFFD000;
	(pc) =	sbr.rel @p0 .LBB2_4-.Ltmp1, $4  }
0x6c: {  	[spmem:s2] =	stream.indirect.scatter.add.f32 [tilespmem:s25], [sflag:$0x3], $0x80, s18, s22, $0xb8;
	v63 =	vld [tilespmem:$0x0]  }
0x6d: {  	_ =	swait.ge [sflag:s17], $0x3000  }
0x6e: {  	[sflag:s17] =	ssyncset.done $0x0  }
0x6f: {  	s0 =	sadd.s32 $0xC0, s0;
	[sflag:s17] =	ssyncadd.s32 $0xFFFFD000  }
0x70: {  	[tilespmem:s25], [sflag:$0x2] =	stream.indirect.gather [hbm4b:s4+s22], $0x80, s31, s22, $0xb8;
	v63 =	vld [tilespmem:$0x0]  }
0x71: {  	_ =	swait.ge [sflag:s26], $0x3000  }
0x72: {  	[sflag:s26] =	ssyncset.done $0x0  }
0x73: {  	[sflag:s26] =	ssyncadd.s32 $0xFFFFD000  }
0x74: {  	[spmem:s2] =	stream.indirect.scatter.add.f32 [tilespmem:s16], [sflag:$0x3], $0x80, s29, s22, $0xb8;
	v63 =	vld [tilespmem:$0x0]  }
0x75: {  	_ =	swait.ge [sflag:s17], $0x3000  }
0x76: {  	[sflag:s17] =	ssyncset.done $0x0  }
0x77: {  	[sflag:s17] =	ssyncadd.s32 $0xFFFFD000  }
0x78: {  	_ =	swait.ge [sflag:s28], $0x3000  }
0x79: {  	[sflag:s28] =	ssyncset.done $0x0  }
0x7a: {  	[sflag:s28] =	ssyncadd.s32 $0xFFFFD000  }
0x7b: {  	[spmem:s2] =	stream.indirect.scatter.add.f32 [tilespmem:s25], [sflag:$0x3], $0x80, s30, s22, $0xb8;
	v63 =	vld [tilespmem:$0x0]  }
0x7c: {  	s0 =	stileid.u32;
	_ =	swait.ge [sflag:s17], $0x3000  }
0x7d: {  	s1 =	sshrl.u32 s7, $0x3;
	s3 =	sadd.s32 $0x1, s3;
	[sflag:s17] =	ssyncset.done $0x0  }
0x7e: {  	s0 =	sshll.u32 s0, $0x6;
	p0 =	sne.s32 s3, s8;
	[sflag:s17] =	ssyncadd.s32 $0xFFFFD000  }
.Ltmp2:
0x7f: {  	s0 =	sor.u32 $0x1C03, s0;
	[bflag:$0x0] =	sbarrier.arrive $0xFFFF;
	(pc) =	sbr.rel @p0 .LBB2_1-.Ltmp2, $4  }
0x80: {  	[hbm:s24], [sflag:s0] =	dma.local [spmem:s1], $0x2800  }
0x81: {  	_ =	swait.ge [sflag:s17], $0x2800  }
0x82: {  	[sflag:s17] =	ssyncset.done $0x0  }
0x83: {  	[sflag:s17] =	ssyncadd.s32 $0xFFFFD800  }
0x84: {  	_ =	sfence.sel $0x180000  }
0x85: {  	[bflag:$0x0] =	sbarrier.arrive $0xFFFF  }
0x86: {  	_ =	strace $0x9000004D  }
0x87: {  	s0 =	stileid.u32;
	[bflag:$0x2] =	sbarrier.arrive $0xFFFF  }
0x88: {  	p0 =	sne.s32 s0, $0x0;
	s0 =	rddreg [dreg:$0x2]  }
0x89: {  	s0 =	sadd.s32 @!p0 $0x100000, s0  }
0x8a: {  	[sflag:s0] =	ssyncadd.tile.s32 @!p0 $0x1;
	_ =	shalt  }
.Lfunc_end2:
_tile_overlayer_lowered:
.L_overlay_start_2:
0x8b: {  	(tag) =	ssettag $0x2  }
0x8c: {  	s0 =	rddreg [dreg:$0x0];
	s2 =	stileid.u32  }
0x8d: {  	s1 =	rddreg [dreg:$0x1];
	p0 =	sne.s32 s2, $0x0  }
0x8e: {  	s3 =	rddreg [dreg:$0x2];
	[bflag:$0x3] =	sbarrier.arrive $0xFFFF;
	s2 =	simm.s32 @!p0 $0x1C03  }
0x8f: {  	[timem:s3], [sflag:s2] =	dma.local @!p0 [hbm:s0], s1  }
0x90: {  	s0 =	simm.s32 @!p0 $0x3  }
0x91: {  	_ =	swait.ge @!p0 [sflag:s0], s1  }
0x92: {  	s1 =	ssub.s32 @!p0 $0x0, s1;
	[sflag:s0] =	ssyncset.done @!p0 $0x0  }
0x93: {  	[sflag:s0] =	ssyncadd.s32 @!p0 s1  }
0x94: {  	[bflag:$0x3] =	sbarrier.arrive $0xFFFF  }
0x95: {  	_ =	shalt  }

// kernel: kernel.8.cloned.1.call-start
scs
__scs_entry_jumppad:
0x0: {  	(pc) =	sbr.rel $0x88, $3  }
0x1: {  	(tag) =	ssettag $0x0;
	lr =	simm.s32 $0x1  }
0x2: {  	[smem:$0x3F98] =	sst lr;
	_ =	strace $0xD0000000  }
0x3: {  	_ = 	snop  }
0x4: {  	_ = 	snop  }
0x5: {  	_ = 	snop  }
0x6: {  	_ = 	snop  }
0x7: {  	_ = 	snop  }
__scs_overlays_trampoline_lowered:
0x8: {  	[smem:$0x3FA7] =	sst s0  }
0x9: {  	[smem:$0x3FA8] =	sst s1  }
0xa: {  	[smem:$0x3FA9] =	sst s2  }
0xb: {  	[smem:$0x3FAA] =	sst s3  }
0xc: {  	[smem:$0x3FAB] =	sst s4  }
0xd: {  	[smem:$0x3FAC] =	sst s5  }
0xe: {  	[smem:$0x3FAD] =	sst s6  }
0xf: {  	[smem:$0x3FAE] =	sst s7  }
0x10: {  	[smem:$0x3FAF] =	sst s8  }
0x11: {  	[smem:$0x3FB0] =	sst s9;
	s0 =	simm.s32 @!p0 $0x0  }
0x12: {  	s1 =	sld [smem:$0x3F96];
	s0 =	simm.s32 @p0 $0x1  }
0x13: {  	[smem:$0x3FB1] =	sst s0;
	s0 =	simm.s32 @!p1 $0x0  }
0x14: {  	s2 =	sld [smem:$0x3F95];
	s0 =	simm.s32 @p1 $0x1  }
0x15: {  	[smem:$0x3FB2] =	sst s0;
	s0 =	simm.s32 @!p2 $0x0  }
0x16: {  	s3 =	sld [smem:$0x3FDB];
	s0 =	simm.s32 @p2 $0x1  }
0x17: {  	s4 =	simm.s32 $0x1BF5;
	[smem:$0x3FB4] =	sst s0  }
0x18: {  	s0 =	sld [smem:$0x3F97];
	_ =	swait.ge [sflag:s4], $0x0  }
0x19: {  	s7 =	sld [smem:$0x3F98]  }
0x1a: {  	s8 =	sadd.s32 $0xFFFFE003, lr  }
0x1b: {  	s9 =	sadd.s32 $0xFFFFFEF7, lr;
	s5 =	simm.s32 $0xFFFFFFFF;
	p2 =	slt.u32 s8, $0xFFFFF086  }
0x1c: {  	p1 =	slt.u32 s9, $0xF7A;
	s5 =	simm.s32 @!p2 $0x0  }
0x1d: {  	s5 =	simm.s32 @p1 $0x1;
	p0 =	seq.s32 s7, s2  }
0x1e: {  	s7 =	smul.u32 @!p0 $0xF7A, s2;
	p2 =	seq.s32 @!p0 s5, $0x0  }
0x1f: {  	s9 =	smul.u32 $0xF7A, s1;
	s8 =	simm.s32 @!p0 $0x1BF5;
	p2 =	por !p2, p0  }
0x20: {  	[sflag:s8] =	ssyncset.s32 @!p0 $0xFFFFF086;
	s6 =	sadd.s32 @!p0 s3, s7;
	s7 =	simm.s32 @!p0 $0x108  }
0x21: {  	s3 =	sadd.s32 s3, s9;
	s6 =	sadd.s32 @!p0 $0x88, s6;
	s7 =	simm.s32 @p2 $0x1082  }
0x22: {  	[simem:s7], [sflag:s8] =	dma.local @!p0 [hbm:s6], $0xF7A  }
0x23: {  	s9 =	sor.u32 $0xD0000000, s2;
	s6 =	simm.s32 $0x108;
	_ =	swait.ge @!p0 [sflag:s8], $0x0  }
0x24: {  	s3 =	sadd.s32 $0x88, s3;
	s6 =	simm.s32 @!p1 $0x1082;
	[sflag:s4] =	ssyncset.s32 $0xFFFFF086  }
0x25: {  	[simem:s6], [sflag:s4] =	dma.local [hbm:s3], $0xF7A  }
0x26: {  	[smem:$0x3F98] =	sst s1;
	(tag) =	ssettag s2;
	_ =	strace s9  }
0x27: {  	s1 =	sld [smem:$0x3FA8]  }
0x28: {  	s2 =	sld [smem:$0x3FA9]  }
0x29: {  	s4 =	sld [smem:$0x3FAB]  }
0x2a: {  	p0 =	seq.s32 s5, $0x0;
	s5 =	sld [smem:$0x3FAC]  }
0x2b: {  	s6 =	sld [smem:$0x3FAD]  }
0x2c: {  	s7 =	sld [smem:$0x3FAE]  }
0x2d: {  	s3 =	simm.s32 $0x108;
	s8 =	sld [smem:$0x3FAF]  }
0x2e: {  	s3 =	simm.s32 @!p0 $0x1082;
	s9 =	sld [smem:$0x3FB0]  }
0x2f: {  	lr =	sadd.s32 s0, s3;
	s0 =	sld [smem:$0x3FA7]  }
0x30: {  	s3 =	sld [smem:$0x3FAA]  }
0x31: {  	[smem:$0x3FB3] =	sst s10  }
0x32: {  	s10 =	sld [smem:$0x3FB1];
	_ =	sdelay $0x3  }
0x33: {  	p0 =	seq.s32 s10, $0x1;
	s10 =	sld [smem:$0x3FB3];
	_ =	sdelay $0x3  }
0x34: {  	[smem:$0x3FB3] =	sst s10  }
0x35: {  	s10 =	sld [smem:$0x3FB2];
	_ =	sdelay $0x3  }
0x36: {  	p1 =	seq.s32 s10, $0x1;
	s10 =	sld [smem:$0x3FB3];
	_ =	sdelay $0x3  }
0x37: {  	[smem:$0x3FB3] =	sst s10  }
0x38: {  	s10 =	sld [smem:$0x3FB4]  }
0x39: {  	_ = 	snop;
	(pc) =	sbr.ind lr, $3  }
0x3a: {  	_ = 	snop  }
0x3b: {  	_ = 	snop  }
0x3c: {  	p2 =	seq.s32 s10, $0x1;
	s10 =	sld [smem:$0x3FB3]  }
0x3d: {  	_ =	shalt  }
0x3e: {  	_ =	shalt  }
0x3f: {  	_ =	shalt  }
0x40: {  	_ =	shalt  }
0x41: {  	_ =	shalt  }
0x42: {  	_ =	shalt  }
0x43: {  	_ =	shalt  }
0x44: {  	_ =	shalt  }
0x45: {  	_ =	shalt  }
0x46: {  	_ =	shalt  }
0x47: {  	_ =	shalt  }
0x48: {  	_ =	shalt  }
0x49: {  	_ =	shalt  }
0x4a: {  	_ =	shalt  }
0x4b: {  	_ =	shalt  }
0x4c: {  	_ =	shalt  }
0x4d: {  	_ =	shalt  }
0x4e: {  	_ =	shalt  }
0x4f: {  	_ =	shalt  }
0x50: {  	_ =	shalt  }
0x51: {  	_ =	shalt  }
0x52: {  	_ =	shalt  }
0x53: {  	_ =	shalt  }
0x54: {  	_ =	shalt  }
0x55: {  	_ =	shalt  }
0x56: {  	_ =	shalt  }
0x57: {  	_ =	shalt  }
0x58: {  	_ =	shalt  }
0x59: {  	_ =	shalt  }
0x5a: {  	_ =	shalt  }
0x5b: {  	_ =	shalt  }
0x5c: {  	_ =	shalt  }
0x5d: {  	_ =	shalt  }
0x5e: {  	_ =	shalt  }
0x5f: {  	_ =	shalt  }
0x60: {  	_ =	shalt  }
0x61: {  	_ =	shalt  }
0x62: {  	_ =	shalt  }
0x63: {  	_ =	shalt  }
0x64: {  	_ =	shalt  }
0x65: {  	_ =	shalt  }
0x66: {  	_ =	shalt  }
0x67: {  	_ =	shalt  }
0x68: {  	_ =	shalt  }
0x69: {  	_ =	shalt  }
0x6a: {  	_ =	shalt  }
0x6b: {  	_ =	shalt  }
0x6c: {  	_ =	shalt  }
0x6d: {  	_ =	shalt  }
0x6e: {  	_ =	shalt  }
0x6f: {  	_ =	shalt  }
0x70: {  	_ =	shalt  }
0x71: {  	_ =	shalt  }
0x72: {  	_ =	shalt  }
0x73: {  	_ =	shalt  }
0x74: {  	_ =	shalt  }
0x75: {  	_ =	shalt  }
0x76: {  	_ =	shalt  }
0x77: {  	_ =	shalt  }
0x78: {  	_ =	shalt  }
0x79: {  	_ =	shalt  }
0x7a: {  	_ =	shalt  }
0x7b: {  	_ =	shalt  }
0x7c: {  	_ =	shalt  }
0x7d: {  	_ =	shalt  }
0x7e: {  	_ =	shalt  }
0x7f: {  	_ =	shalt  }
0x80: {  	_ =	shalt  }
0x81: {  	_ =	shalt  }
0x82: {  	_ =	shalt  }
0x83: {  	_ =	shalt  }
0x84: {  	_ =	shalt  }
0x85: {  	_ =	shalt  }
0x86: {  	_ =	shalt  }
0x87: {  	_ =	shalt  }
.Lfunc_end0:
.L_simem_size_0:
called_computation_lowered:
.L_overlay_start_0:
0x88: {  	s2 =	sld [smem:$0x3FD9]  }
0x89: {  	s3 =	sld [smem:$0x3FFE];
	_ =	sdelay $0x1  }
0x8a: {  	s1 =	srdreg.scid  }
0x8b: {  	s0 =	sand.u32 $0x1, s1  }
0x8c: {  	s16 =	sshll.u32 s0, $0xA;
	s2 =	sadd.s32 s3, s2  }
0x8d: {  	s2 =	sadd.s32 s2, s16  }
0x8e: {  	[smem:$0x3FBF] =	sst s2  }
0x8f: {  	_ = 	snop  }
0x90: {  	(tm) =	ssettm $0x1  }
0x91: {  	s17 =	sld [smem:$0x3FFB];
	_ =	sdelay $0x3  }
0x92: {  	_ =	strace s17  }
0x93: {  	s2 =	sld [smem:$0x3FFC];
	_ =	sdelay $0x3  }
0x94: {  	_ =	strace s2  }
0x95: {  	s2 =	sld [smem:$0x3FFD];
	_ =	sdelay $0x3  }
0x96: {  	_ =	strace s2  }
0x97: {  	_ =	strace $0x8FFFFFFF  }
0x98: {  	s18 =	sld [smem:$0x3FDB];
	_ =	sdelay $0x1  }
0x99: {  	s19 =	simm.s32 $_scs_section_size  }
0x9a: {  	s4 =	simm.s32 $_size__tile_overlayer_lowered;
	s5 =	simm.s32 $_tile_overlayer_lowered  }
0x9b: {  	s22 =	simm.s32 $0x1BFF;
	s21 =	sshll.u32 s5, $0x1;
	s2 =	sadd.s32 s19, s18  }
0x9c: {  	s6 =	simm.s32 $0x0;
	s20 =	sshll.u32 s4, $0x1;
	s4 =	sadd.s32 s21, s2  }
0x9d: {  	[timem:s6], [sflag:s22] =	dma.local [hbm:s4], s20  }
0x9e: {  	_ =	swait.ge [sflag:s22], s20  }
0x9f: {  	s3 =	ssub.s32 $0x0, s20;
	[sflag:s22] =	ssyncset.done $0x0  }
0xa0: {  	[sflag:s22] =	ssyncadd.s32 s3;
	_ =	sdelay $0x1  }
0xa1: {  	s23 =	simm.s32 $0x1B8B  }
0xa2: {  	_ =	swait.ge [sflag:s23], $0x1  }
0xa3: {  	[sflag:s23] =	ssyncset.done $0x0  }
0xa4: {  	s25 =	simm.s32 $0x1B8E;
	s24 =	sld [smem:$0x3FFE];
	[sflag:s23] =	ssyncadd.s32 $0xFFFFFFFF  }
0xa5: {  	s26 =	simm.s32 $execute0_lowered;
	[smem:$0x3FD2] =	sst s25  }
0xa6: {  	s4 =	sshll.u32 s26, $0x1;
	_ =	strace $0x80000046;
	[dreg:$0x1] =	wrdreg $0xFFFFFFFF  }
0xa7: {  	s28 =	simm.s32 $_size_execute0_lowered;
	s2 =	sadd.s32 s2, s4;
	[dreg:$0x0] =	wrdreg $0x0  }
0xa8: {  	s4 =	sshll.u32 s28, $0x1;
	[dreg:$0x2] =	wrdreg s2  }
0xa9: {  	[dreg:$0x3] =	wrdreg s4  }
0xaa: {  	[dreg:$0x4] =	wrdreg $0xC0  }
0xab: {  	_ =	task [dreg:s6], $0x5FFFF  }
0xac: {  	[dreg:$0x1] =	wrdreg $0xFFFFFFFF  }
0xad: {  	[dreg:$0x0] =	wrdreg $0x60  }
0xae: {  	[dreg:$0x2] =	wrdreg s24  }
0xaf: {  	[dreg:$0x3] =	wrdreg $0x9  }
0xb0: {  	_ =	task.clear_ibuf [dreg:s6], $0x4FFFF;
	_ =	strace $0x90000046  }
0xb1: {  	s29 =	simm.s32 $0x9;
	_ =	strace $0x80000048  }
0xb2: {  	_ =	swait.ge [sflag:s29], $0x1  }
0xb3: {  	[sflag:s29] =	ssyncadd.s32 $0xFFFFFFFF  }
0xb4: {  	_ =	strace $0x90000048  }
0xb5: {  	_ =	sfence  }
0xb6: {  	s30 =	sld [smem:$0x0];
	_ =	sdelay $0x2  }
0xb7: {  	s31 =	sshll.u32 s1, $0xD;
	s1 =	sshrl.u32 s1, $0x2  }
0xb8: {  	s3 =	sand.u32 $0x4000, s31;
	s1 =	sadd.s32 s1, s30  }
0xb9: {  	s0 =	sor.u32 s3, s0;
	s1 =	sshll.u32 s1, $0x11  }
0xba: {  	s0 =	sor.u32 s1, s0  }
0xbb: {  	s0 =	sadd.s32 $0x8F2B, s0  }
0xbc: {  	[sflag:s0] =	ssyncadd.remote.s32 $0x1  }
0xbd: {  	_ =	sfence.sel $0xFFFF  }
0xbe: {  	[dreg:$0x0] =	wrdreg $0xFFFFFFFF;
	(pc) =	sbr.abs _section_cstart, $3  }
0xbf: {  	[dreg:$0x1] =	wrdreg $0xFFFFFFFF  }
0xc0: {  	_ =	task.clear_ibuf [dreg:s6], $0x2FFFF;
	_ =	strace $0x9FFFFFFF  }
0xc1: {  	(tm) =	ssettm $0x7FFFFFFF  }
tec
execute0_lowered:
.L_overlay_start_1:
0x0: {  	(tag) =	ssettag $0x1  }
0x1: {  	s1 =	srdreg.scid  }
0x2: {  	s0 =	stileid.u32;
	s5 =	rddreg [dreg:$0x0];
	s7 =	simm.s32 $0x400  }
0x3: {  	s8 =	simm.s32 $0x2780;
	s9 =	simm.s32 $0x1;
	s10 =	simm.s32 $0x0  }
0x4: {  	s3 =	sand.u32 $0x1, s1;
	s29 =	sshrl.u32 s0, $0x2;
	s2 =	sshll.u32 s0, $0x8  }
0x5: {  	s4 =	smul.u32 $0x13C00, s29;
	s30 =	sshll.u32 s3, $0x7;
	s2 =	sand.u32 $0x300, s2  }
0x6: {  	s1 =	rddreg [dreg:$0x1];
	s3 =	ssub.s32 $0x2, s3;
	s6 =	sor.u32 s30, s2  }
0x7: {  	s2 =	simm.s32 $0x0;
	s31 =	sshrl.u32 s3, $0x1;
	s4 =	sor.u32 s4, s6  }
0x8: {  	[smem:$0x7FF] =	sst s2;
	s6 =	simm.s32 $0x80;
	s4 =	sshrl.u32 s4, $0x3  }
0x9: {  	_ =	strace $0x80000047;
	s4 =	sadd.s32 s4, s5;
	s5 =	ssub.s32 s3, s31  }
0xa: {  	v0 =	vimm.f32 $0.0e+00;
	v1 =	vimm.f32 $1.000000000e+00;
	s3 =	sadd.s32 $0x2400, s4;
	s4 =	sadd.s32 $0xC200, s4;
	s5 =	smax.u32 s5, $0x1  }
.LBB2_1:
0xb: {  	s11 =	simm.s32 $0x40;
	s12 =	simm.s32 $0x0  }
.LBB2_2:
0xc: {  	p0 =	sne.s32 s11, $0x9C00;
	[tilespmem:s12+$0x0] =	vst v0;
	s12 =	smov.u32 s11;
	s11 =	sadd.s32 $0x40, s11  }
.Ltmp0:
0xd: {  	(pc) =	sbr.rel @p0 .LBB2_2-.Ltmp0, $2  }
0xe: {  	_ =	sdelay $0x2  }
0xf: {  	s12 =	sshra.s32 s12, $0x2  }
0x10: {  	[tilespmem:s12+$0x0] =	vst v0  }
0x11: {  	[tilespmem:s8], [sflag:$0x1] =	stream.strided.gather [hbm4b:s3+s6], $0x2780, s7, s6, $0x38;
	[tilespmem:$0x4F00] =	vst v63  }
0x12: {  	_ =	swait.ge [sflag:s9], $0x2780  }
0x13: {  	[sflag:s9] =	ssyncset.done $0x0  }
0x14: {  	s12 =	simm.s32 $0x0;
	s11 =	simm.s32 $0x40;
	[sflag:s9] =	ssyncadd.s32 $0xFFFFD880  }
.LBB2_4:
0x15: {  	p0 =	sne.s32 s11, $0x9C00;
	v2 =	vld [tilespmem:s12+$0x2780];
	_ =	sdelay $0x3  }
.Ltmp1:
0x16: {  	(pc) =	sbr.rel @p0 .LBB2_4-.Ltmp1, $2  }
0x17: {  	_ =	sdelay $0x2  }
0x18: {  	s12 =	sshra.s32 s11, $0x2;
	s11 =	sadd.s32 $0x40, s11;
	[tilespmem:v2+s2+$0x0] =	vst.idx.add.f32.msk $0xffff, v1  }
0x19: {  	v2 =	vld [tilespmem:s12+$0x2780];
	_ =	sdelay $0x5  }
0x1a: {  	s10 =	sadd.s32 $0x1, s10  }
0x1b: {  	p0 =	sne.s32 s10, s5  }
.Ltmp2:
0x1c: {  	[tilespmem:v2+s2+$0x0] =	vst.idx.add.f32.msk $0xffff, v1;
	(pc) =	sbr.rel @p0 .LBB2_1-.Ltmp2, $4  }
0x1d: {  	[hbm4b:s4+s6] =	stream.strided.scatter [tilespmem:s2], [sflag:$0x1], $0x2780, s7, s6, $0x38;
	[tilespmem:$0x4F00] =	vst v63  }
0x1e: {  	_ =	swait.ge [sflag:s9], $0x2780  }
0x1f: {  	[sflag:s9] =	ssyncset.done $0x0  }
0x20: {  	[sflag:s9] =	ssyncadd.s32 $0xFFFFD880  }
0x21: {  	_ =	sfence.sel $0x180000  }
0x22: {  	[bflag:$0x0] =	sbarrier.arrive $0xFFFF  }
0x23: {  	p0 =	sne.s32 s0, $0x0;
	_ =	strace $0x90000047  }
0x24: {  	s0 =	sadd.s32 @!p0 $0x100000, s1;
	[bflag:$0x2] =	sbarrier.arrive $0xFFFF  }
0x25: {  	[sflag:s0] =	ssyncadd.tile.s32 @!p0 $0x1;
	_ =	shalt  }
.Lfunc_end2:
_tile_overlayer_lowered:
.L_overlay_start_2:
0x26: {  	(tag) =	ssettag $0x2  }
0x27: {  	s0 =	rddreg [dreg:$0x0];
	s2 =	stileid.u32  }
0x28: {  	s1 =	rddreg [dreg:$0x1];
	p0 =	sne.s32 s2, $0x0  }
0x29: {  	s3 =	rddreg [dreg:$0x2];
	[bflag:$0x3] =	sbarrier.arrive $0xFFFF;
	s2 =	simm.s32 @!p0 $0x1C01  }
0x2a: {  	[timem:s3], [sflag:s2] =	dma.local @!p0 [hbm:s0], s1  }
0x2b: {  	s0 =	simm.s32 @!p0 $0x1  }
0x2c: {  	_ =	swait.ge @!p0 [sflag:s0], s1  }
0x2d: {  	s1 =	ssub.s32 @!p0 $0x0, s1;
	[sflag:s0] =	ssyncset.done @!p0 $0x0  }
0x2e: {  	[sflag:s0] =	ssyncadd.s32 @!p0 s1  }
0x2f: {  	[bflag:$0x3] =	sbarrier.arrive $0xFFFF  }
0x30: {  	_ =	shalt  }

</sc_bundles>
